<compile_context>
chip_gen: v7x
topology: tpu7x:2x2x1
jax: 0.10.2.dev20260603
libtpu: 0.0.44.dev20260713+nightly
codegen_flags: <defaults>
</compile_context>

<pallas_src>
import functools

import jax
import jax.numpy as jnp
from jax import lax
from jax.experimental import pallas as pl
from jax.experimental.pallas import tpu as pltpu
from jax.experimental.pallas import tpu_sc as plsc

NC = 2
NS = 16
NW = NC * NS
LANES = 16
CHUNK = 128
ZROWS = 128
NBUF = 2


def _sc_agg(x2, src2_t, dst_t, n_pad, with_cnt):
    dh = x2.shape[1]
    num_chunks = src2_t.shape[2]
    rows_per_tile = n_pad // NS
    half_chunks = num_chunks // 2

    mesh = plsc.VectorSubcoreMesh(core_axis_name="c", subcore_axis_name="s")
    out_type = [jax.ShapeDtypeStruct((NC, n_pad, dh), jnp.float32)]
    if with_cnt:
        out_type.append(jax.ShapeDtypeStruct((NC, n_pad, LANES), jnp.float32))

    scratch_types = [
        pltpu.VMEM((num_chunks, CHUNK), jnp.int32),
        pltpu.VMEM((num_chunks, CHUNK), jnp.int32),
        [pltpu.VMEM((CHUNK, dh), jnp.float32)] * NBUF,
        [pltpu.SemaphoreType.DMA] * NBUF,
        pltpu.VMEM_SHARED((n_pad, dh), jnp.float32),
    ]
    if with_cnt:
        scratch_types += [
            pltpu.VMEM((CHUNK, LANES), jnp.float32),
            pltpu.VMEM((CHUNK, LANES), jnp.float32),
            pltpu.SemaphoreType.DMA,
            pltpu.VMEM_SHARED((n_pad, LANES), jnp.float32),
        ]

    def body(x_hbm, src_hbm, dst_hbm, *refs):
        if with_cnt:
            (out_hbm, cnt_hbm, src_v, dst_v, rows, gsem, acc_sh,
             ones_v, zeros_v, csem, cnt_sh) = refs
        else:
            out_hbm, src_v, dst_v, rows, gsem, acc_sh = refs

        core = lax.axis_index("c")
        tid = lax.axis_index("s")

        @pl.loop(0, CHUNK)
        def _(i):
            @pl.loop(0, dh // LANES)
            def _(j):
                rows[0][i, pl.ds(j * LANES, LANES)] = jnp.zeros(
                    (LANES,), jnp.float32)
            if with_cnt:
                ones_v[i, :] = jnp.ones((LANES,), jnp.float32)
                zeros_v[i, :] = jnp.zeros((LANES,), jnp.float32)

        idx_copies = (pltpu.make_async_copy(src_hbm.at[core, tid], src_v,
                                            gsem[0]),
                      pltpu.make_async_copy(dst_hbm.at[tid], dst_v, gsem[1]))
        for cp in idx_copies:
            cp.start()

        row0 = tid * rows_per_tile

        @pl.loop(0, rows_per_tile // ZROWS)
        def _(k):
            pltpu.sync_copy(rows[0], acc_sh.at[pl.ds(row0 + k * ZROWS, ZROWS)])
            if with_cnt:
                pltpu.sync_copy(
                    zeros_v, cnt_sh.at[pl.ds(row0 + k * ZROWS, ZROWS)])

        for cp in idx_copies:
            cp.wait()

        plsc.subcore_barrier()

        def do_cnt(c):
            if with_cnt:
                lo = core * half_chunks
                @pl.when(jnp.logical_and(lo <= c, c < lo + half_chunks))
                def _():
                    pltpu.async_copy(
                        ones_v, cnt_sh.at[dst_v.at[c]], csem, add=True)

        pltpu.async_copy(x_hbm.at[src_v.at[0]], rows[0], gsem[0])

        @pl.loop(0, num_chunks - 2, step=2)
        def _(g):
            for b in range(2):
                c = g + b
                pltpu.async_copy(
                    x_hbm.at[src_v.at[c + 1]], rows[1 - b], gsem[1 - b])
                pltpu.make_async_copy(
                    x_hbm.at[src_v.at[c]], rows[b], gsem[b]).wait()
                pltpu.sync_copy(rows[b], acc_sh.at[dst_v.at[c]], add=True)
                do_cnt(c)

        pltpu.async_copy(
            x_hbm.at[src_v.at[num_chunks - 1]], rows[1], gsem[1])
        pltpu.make_async_copy(
            x_hbm.at[src_v.at[num_chunks - 2]], rows[0], gsem[0]).wait()
        pltpu.sync_copy(rows[0], acc_sh.at[dst_v.at[num_chunks - 2]], add=True)
        do_cnt(num_chunks - 2)
        pltpu.make_async_copy(
            x_hbm.at[src_v.at[num_chunks - 1]], rows[1], gsem[1]).wait()
        pltpu.sync_copy(rows[1], acc_sh.at[dst_v.at[num_chunks - 1]], add=True)
        do_cnt(num_chunks - 1)

        if with_cnt:
            @pl.loop(0, half_chunks)
            def _(i):
                pltpu.make_async_copy(
                    ones_v, cnt_sh.at[dst_v.at[0]], csem).wait()

        plsc.subcore_barrier()

        @pl.loop(0, rows_per_tile // ZROWS)
        def _(k):
            r = row0 + k * ZROWS
            pltpu.sync_copy(acc_sh.at[pl.ds(r, ZROWS)],
                            out_hbm.at[core, pl.ds(r, ZROWS)])
            if with_cnt:
                pltpu.sync_copy(cnt_sh.at[pl.ds(r, ZROWS)],
                                cnt_hbm.at[core, pl.ds(r, ZROWS)])

    run = pl.kernel(
        body, out_type=out_type, mesh=mesh, scratch_types=scratch_types,
        compiler_params=pltpu.CompilerParams(use_tc_tiling_on_sc=False))
    return run(x2, src2_t, dst_t)


def _lin_body(x_ref, w_ref, b_ref, o_ref):
    xb = jnp.concatenate([x_ref[0], x_ref[1]], axis=-1)
    o_ref[...] = lax.dot(
        xb, w_ref[...], precision=lax.Precision.DEFAULT,
        preferred_element_type=jnp.float32) + b_ref[...]


def _tc_lin(xb, w_t, b, block_rows):
    _, n_pad, dh = xb.shape
    d = 2 * dh
    return pl.pallas_call(
        _lin_body,
        grid=(n_pad // block_rows,),
        in_specs=[
            pl.BlockSpec((NC, block_rows, dh), lambda i: (0, i, 0)),
            pl.BlockSpec((d, d), lambda i: (0, 0)),
            pl.BlockSpec((1, d), lambda i: (0, 0)),
        ],
        out_specs=pl.BlockSpec((block_rows, d), lambda i: (i, 0)),
        out_shape=jax.ShapeDtypeStruct((n_pad, d), jnp.float32),
    )(xb, w_t, b.reshape(1, d))


def _combine_body(acc_ref, cnt_ref, w_ref, xr_ref, o_ref, *, relu, blocked):
    agg = jnp.concatenate([acc_ref[0], acc_ref[1]], axis=-1)
    cnt = cnt_ref[0, :, 0:1] + cnt_ref[1, :, 0:1]
    agg = agg / jnp.maximum(cnt, 1.0)
    y = lax.dot(agg, w_ref[...], precision=lax.Precision.DEFAULT,
                preferred_element_type=jnp.float32) + xr_ref[...]
    y = jnp.maximum(y, 0.0) if relu else y
    if blocked:
        dh = y.shape[-1] // 2
        o_ref[0] = y[:, :dh]
        o_ref[1] = y[:, dh:]
    else:
        o_ref[...] = y


def _tc_combine(acc, cnt, w_t, xr, relu, block_rows, blocked):
    n_pad, d = xr.shape
    if blocked:
        out_shape = jax.ShapeDtypeStruct((NC, n_pad, d // 2), jnp.float32)
        out_specs = pl.BlockSpec((NC, block_rows, d // 2), lambda i: (0, i, 0))
    else:
        out_shape = jax.ShapeDtypeStruct((n_pad, d), jnp.float32)
        out_specs = pl.BlockSpec((block_rows, d), lambda i: (i, 0))
    return pl.pallas_call(
        functools.partial(_combine_body, relu=relu, blocked=blocked),
        grid=(n_pad // block_rows,),
        in_specs=[
            pl.BlockSpec((NC, block_rows, d // 2), lambda i: (0, i, 0)),
            pl.BlockSpec((NC, block_rows, LANES), lambda i: (0, i, 0)),
            pl.BlockSpec((d, d), lambda i: (0, 0)),
            pl.BlockSpec((block_rows, d), lambda i: (i, 0)),
        ],
        out_specs=out_specs,
        out_shape=out_shape,
    )(acc, cnt, w_t, xr)


def kernel(x, edge_index, W1l, b1l, W1r, W2l, b2l, W2r):
    n, d = x.shape
    dh = d // 2
    e = edge_index.shape[1]

    n_pad = ((n + 1 + NS * ZROWS - 1) // (NS * ZROWS)) * (NS * ZROWS)
    num_chunks = (e + NS * CHUNK - 1) // (NS * CHUNK)
    num_chunks = ((num_chunks + NBUF - 1) // NBUF) * NBUF
    e_pad = NS * num_chunks * CHUNK

    src = jnp.concatenate(
        [edge_index[0], jnp.zeros((e_pad - e,), jnp.int32)])
    dst = jnp.concatenate(
        [edge_index[1], jnp.full((e_pad - e,), n, jnp.int32)])
    src2_t = jnp.stack([src, src + n_pad]).reshape(
        NC, NS, num_chunks, CHUNK)
    dst_t = dst.reshape(NS, num_chunks, CHUNK)

    xb = jnp.zeros((NC, n_pad, dh), jnp.float32)
    xb = xb.at[0, :n].set(x[:, :dh]).at[1, :n].set(x[:, dh:])

    block_rows = 512

    acc1, cnt = _sc_agg(
        xb.reshape(2 * n_pad, dh), src2_t, dst_t, n_pad, with_cnt=True)
    xr1 = _tc_lin(xb, W1r.T, b1l, block_rows)
    hb = _tc_combine(acc1, cnt, W1l.T, xr1, relu=True,
                     block_rows=block_rows, blocked=True)

    acc2 = _sc_agg(
        hb.reshape(2 * n_pad, dh), src2_t, dst_t, n_pad, with_cnt=False)[0]
    xr2 = _tc_lin(hb, W2r.T, b2l, block_rows)
    out = _tc_combine(acc2, cnt, W2l.T, xr2, relu=False,
                      block_rows=block_rows, blocked=False)
    return out[:n]

# --- scband reference (transcript-rebuilt; emitter-appended) ---
"""Pipeline reference for scband-nova-gnnencoder-9792525435307 (READ-ONLY COPY).

The authoritative reference and input builder live on the scoring server;
editing this copy changes nothing except your own understanding.
"""

import jax, jax.numpy as jnp
import numpy as np

N = 10000
E = 320000
D = 128


def setup_inputs(seed: int = 0) -> dict:
    key = jax.random.key(seed)
    ks = jax.random.split(key, 10)
    x = jax.random.normal(ks[0], (N, D), dtype=jnp.float32)
    edge_index = jax.random.randint(ks[1], (2, E), 0, N, dtype=jnp.int32)
    s = 1.0 / np.sqrt(D)
    W1l = jax.random.normal(ks[2], (D, D), dtype=jnp.float32) * s
    b1l = jnp.zeros((D,), dtype=jnp.float32)
    W1r = jax.random.normal(ks[3], (D, D), dtype=jnp.float32) * s
    W2l = jax.random.normal(ks[4], (D, D), dtype=jnp.float32) * s
    b2l = jnp.zeros((D,), dtype=jnp.float32)
    W2r = jax.random.normal(ks[5], (D, D), dtype=jnp.float32) * s
    return {"x": x, "edge_index": edge_index, "W1l": W1l, "b1l": b1l, "W1r": W1r,
            "W2l": W2l, "b2l": b2l, "W2r": W2r}


def _sage_conv(x, edge_index, W_l, b_l, W_r):
    # PyG SAGEConv with mean aggregation:
    # out = lin_l(mean_{j in N(i)} x_j) + lin_r(x_i)
    src = edge_index[0]
    dst = edge_index[1]
    msg = jnp.take(x, src, axis=0)                      # gather [E, D]
    agg = jax.ops.segment_sum(msg, dst, num_segments=N)  # scatter-add [N, D]
    cnt = jax.ops.segment_sum(jnp.ones((E,), dtype=x.dtype), dst, num_segments=N)
    agg = agg / jnp.clip(cnt, 1.0, None)[:, None]
    return agg @ W_l.T + b_l + x @ W_r.T


def reference(x, edge_index, W1l, b1l, W1r, W2l, b2l, W2r):
    # Dropout is identity in eval mode.
    h = _sage_conv(x, edge_index, W1l, b1l, W1r)
    h = jax.nn.relu(h)
    out = _sage_conv(h, edge_index, W2l, b2l, W2r)
    return out

if __name__ == "__main__":
    import jax
    _d = setup_inputs()
    print(jax.jit(kernel)(*tuple(_d.values())))

</pallas_src>

<mosaic_0001>
#map = affine_map<(d0, d1) -> (0, 0)>
#map1 = affine_map<(d0, d1) -> (0, 0, 0, 0)>
#map2 = affine_map<(d0, d1) -> (0, 0, 0)>
module attributes {stable_mosaic.version = 14 : i64} {
  func.func @body(%arg0: i32, %arg1: i32, %arg2: memref<20480x64xf32, #tpu.memory_space<hbm>>, %arg3: memref<2x16x158x128xi32, #tpu.memory_space<hbm>>, %arg4: memref<16x158x128xi32, #tpu.memory_space<hbm>>, %arg5: memref<2x10240x64xf32, #tpu.memory_space<hbm>>, %arg6: memref<2x10240x16xf32, #tpu.memory_space<hbm>>, %arg7: memref<158x128xi32, #tpu.memory_space<vmem>>, %arg8: memref<158x128xi32, #tpu.memory_space<vmem>>, %arg9: memref<128x64xf32, #tpu.memory_space<vmem>>, %arg10: memref<128x64xf32, #tpu.memory_space<vmem>>, %arg11: memref<!tpu.dma_semaphore, #tpu.memory_space<semaphore_mem>>, %arg12: memref<!tpu.dma_semaphore, #tpu.memory_space<semaphore_mem>>, %arg13: memref<10240x64xf32, #tpu.memory_space<vmem_shared>>, %arg14: memref<128x16xf32, #tpu.memory_space<vmem>>, %arg15: memref<128x16xf32, #tpu.memory_space<vmem>>, %arg16: memref<!tpu.dma_semaphore, #tpu.memory_space<semaphore_mem>>, %arg17: memref<10240x16xf32, #tpu.memory_space<vmem_shared>>) attributes {dimension_semantics = [#tpu.dimension_semantics<core_parallel>, #tpu.dimension_semantics<subcore_parallel>], iteration_bounds = array<i64: 2, 16>, scalar_prefetch = 0 : i64, scratch_operands = 11 : i64, tpu.core_type = #tpu.core_type<sc_vector_subcore>, window_params = [{transform_indices = #map}, {transform_indices = #map1}, {transform_indices = #map2}, {transform_indices = #map2}, {transform_indices = #map2}]} {
    %scan3A = arith.constant 0 : i32
    %scan3A_0 = arith.constant 128 : i32
    %scan3A_1 = arith.addi %scan3A, %scan3A_0 : i32
    %scan3A_2 = arith.constant 1 : i32
    scf.for %scan3A_103 = %scan3A to %scan3A_1 step %scan3A_2  : i32 {
      %mul3A_104 = arith.constant 1 : i32
      %mul3A_105 = arith.muli %scan3A_103, %mul3A_104 : i32
      %add3A_106 = arith.constant 0 : i32
      %add3A_107 = arith.addi %add3A_106, %mul3A_105 : i32
      %scan3A_108 = arith.constant 0 : i32
      %scan3A_109 = arith.constant 4 : i32
      %scan3A_110 = arith.addi %scan3A_108, %scan3A_109 : i32
      %scan3A_111 = arith.constant 1 : i32
      scf.for %scan3A_125 = %scan3A_108 to %scan3A_110 step %scan3A_111  : i32 {
        %mul3A_126 = arith.constant 1 : i32
        %mul3A_127 = arith.muli %scan3A_125, %mul3A_126 : i32
        %add3A_128 = arith.constant 0 : i32
        %add3A_129 = arith.addi %add3A_128, %mul3A_127 : i32
        %broadcast_in_dim3A_130 = arith.constant 0.000000e+00 : f32
        %broadcast_in_dim3A_131 = vector.broadcast %broadcast_in_dim3A_130 : f32 to vector<16xf32>
        %mul3A_132 = arith.constant 16 : i32
        %mul3A_133 = arith.muli %add3A_129, %mul3A_132 : i32
        %swap3A_134 = arith.index_cast %add3A_107 : i32 to index
        %swap3A_135 = arith.index_cast %mul3A_133 : i32 to index
        %swap3A_136 = tpu.vector_load %arg9[%swap3A_134, %swap3A_135] {strides = array<i32>} : memref<128x64xf32, #tpu.memory_space<vmem>>, vector<1x16xf32>,
        %swap3A_137 = vector.shape_cast %swap3A_136 : vector<1x16xf32> to vector<16xf32>
        %swap3A_138 = vector.shape_cast %broadcast_in_dim3A_131 : vector<16xf32> to vector<1x16xf32>
        tpu.vector_store %arg9[%swap3A_134, %swap3A_135], %swap3A_138 {strides = array<i32>} : memref<128x64xf32, #tpu.memory_space<vmem>>, vector<1x16xf32>,
      }
      %scan3A_112 = arith.constant 4 : i32
      %broadcast_in_dim3A = arith.constant 1.000000e+00 : f32
      %broadcast_in_dim3A_113 = vector.broadcast %broadcast_in_dim3A : f32 to vector<16xf32>
      %swap3A = arith.index_cast %add3A_107 : i32 to index
      %swap3A_114 = arith.constant 0 : index
      %swap3A_115 = tpu.vector_load %arg14[%swap3A, %swap3A_114] {strides = array<i32>} : memref<128x16xf32, #tpu.memory_space<vmem>>, vector<1x16xf32>,
      %swap3A_116 = vector.shape_cast %swap3A_115 : vector<1x16xf32> to vector<16xf32>
      %swap3A_117 = vector.shape_cast %broadcast_in_dim3A_113 : vector<16xf32> to vector<1x16xf32>
      tpu.vector_store %arg14[%swap3A, %swap3A_114], %swap3A_117 {strides = array<i32>} : memref<128x16xf32, #tpu.memory_space<vmem>>, vector<1x16xf32>,
      %broadcast_in_dim3A_118 = arith.constant 0.000000e+00 : f32
      %broadcast_in_dim3A_119 = vector.broadcast %broadcast_in_dim3A_118 : f32 to vector<16xf32>
      %swap3A_120 = arith.index_cast %add3A_107 : i32 to index
      %swap3A_121 = arith.constant 0 : index
      %swap3A_122 = tpu.vector_load %arg15[%swap3A_120, %swap3A_121] {strides = array<i32>} : memref<128x16xf32, #tpu.memory_space<vmem>>, vector<1x16xf32>,
      %swap3A_123 = vector.shape_cast %swap3A_122 : vector<1x16xf32> to vector<16xf32>
      %swap3A_124 = vector.shape_cast %broadcast_in_dim3A_119 : vector<16xf32> to vector<1x16xf32>
      tpu.vector_store %arg15[%swap3A_120, %swap3A_121], %swap3A_124 {strides = array<i32>} : memref<128x16xf32, #tpu.memory_space<vmem>>, vector<1x16xf32>,
    }
    %scan3A_3 = arith.constant 128 : i32
    %dma_start3A = arith.constant 0 : i32
    %dma_start3A_4 = arith.constant 0 : i32
    %dma_start3A_5 = tpu.memref_slice %arg3[%arg0, %arg1, %dma_start3A, %dma_start3A_4] : memref<2x16x158x128xi32, #tpu.memory_space<hbm>> -> memref<1x1x158x128xi32, #tpu.memory_space<hbm>>
    %dma_start3A_6 = tpu.memref_squeeze %dma_start3A_5 : memref<1x1x158x128xi32, #tpu.memory_space<hbm>> -> memref<158x128xi32, #tpu.memory_space<hbm>>
    %dma_start3A_7 = arith.constant 0 : i32
    %dma_start3A_8 = arith.constant 0 : i32
    %dma_start3A_9 = tpu.memref_slice %arg3[%arg0, %arg1, %dma_start3A_7, %dma_start3A_8] : memref<2x16x158x128xi32, #tpu.memory_space<hbm>> -> memref<1x1x158x128xi32, #tpu.memory_space<hbm>>
    %dma_start3A_10 = tpu.memref_squeeze %dma_start3A_9 : memref<1x1x158x128xi32, #tpu.memory_space<hbm>> -> memref<158x128xi32, #tpu.memory_space<hbm>>
    tpu.enqueue_dma source(%dma_start3A_10 : memref<158x128xi32, #tpu.memory_space<hbm>>) target(%arg7 : memref<158x128xi32, #tpu.memory_space<vmem>>) target_semaphore(%arg11 : memref<!tpu.dma_semaphore, #tpu.memory_space<semaphore_mem>>)
    %dma_start3A_11 = arith.constant 0 : i32
    %dma_start3A_12 = arith.constant 0 : i32
    %dma_start3A_13 = tpu.memref_slice %arg4[%arg1, %dma_start3A_11, %dma_start3A_12] : memref<16x158x128xi32, #tpu.memory_space<hbm>> -> memref<1x158x128xi32, #tpu.memory_space<hbm>>
    %dma_start3A_14 = tpu.memref_squeeze %dma_start3A_13 : memref<1x158x128xi32, #tpu.memory_space<hbm>> -> memref<158x128xi32, #tpu.memory_space<hbm>>
    %dma_start3A_15 = arith.constant 0 : i32
    %dma_start3A_16 = arith.constant 0 : i32
    %dma_start3A_17 = tpu.memref_slice %arg4[%arg1, %dma_start3A_15, %dma_start3A_16] : memref<16x158x128xi32, #tpu.memory_space<hbm>> -> memref<1x158x128xi32, #tpu.memory_space<hbm>>
    %dma_start3A_18 = tpu.memref_squeeze %dma_start3A_17 : memref<1x158x128xi32, #tpu.memory_space<hbm>> -> memref<158x128xi32, #tpu.memory_space<hbm>>
    tpu.enqueue_dma source(%dma_start3A_18 : memref<158x128xi32, #tpu.memory_space<hbm>>) target(%arg8 : memref<158x128xi32, #tpu.memory_space<vmem>>) target_semaphore(%arg12 : memref<!tpu.dma_semaphore, #tpu.memory_space<semaphore_mem>>)
    %mul3A = arith.constant 640 : i32
    %mul3A_19 = arith.muli %arg1, %mul3A : i32
    %scan3A_20 = arith.constant 0 : i32
    %scan3A_21 = arith.constant 5 : i32
    %scan3A_22 = arith.addi %scan3A_20, %scan3A_21 : i32
    %scan3A_23 = arith.constant 1 : i32
    scf.for %scan3A_103 = %scan3A_20 to %scan3A_22 step %scan3A_23  : i32 {
      %mul3A_104 = arith.constant 1 : i32
      %mul3A_105 = arith.muli %scan3A_103, %mul3A_104 : i32
      %add3A_106 = arith.constant 0 : i32
      %add3A_107 = arith.addi %add3A_106, %mul3A_105 : i32
      %mul3A_108 = arith.constant 128 : i32
      %mul3A_109 = arith.muli %add3A_107, %mul3A_108 : i32
      %add3A_110 = arith.addi %mul3A_19, %mul3A_109 : i32
      "tpu.region"() ({
        %run_scoped3A_114 = tpu.sem_alloc : memref<!tpu.dma_semaphore, #tpu.memory_space<semaphore_mem>>
        %dma_start3A_115 = arith.constant 0 : i32
        %dma_start3A_116 = tpu.memref_slice %arg13[%add3A_110, %dma_start3A_115] : memref<10240x64xf32, #tpu.memory_space<vmem_shared>> -> memref<128x64xf32, #tpu.memory_space<vmem_shared>>
        %dma_start3A_117 = arith.constant 0 : i32
        %dma_start3A_118 = tpu.memref_slice %arg13[%add3A_110, %dma_start3A_117] : memref<10240x64xf32, #tpu.memory_space<vmem_shared>> -> memref<128x64xf32, #tpu.memory_space<vmem_shared>>
        tpu.enqueue_dma source(%arg9 : memref<128x64xf32, #tpu.memory_space<vmem>>) target(%dma_start3A_118 : memref<128x64xf32, #tpu.memory_space<vmem_shared>>) target_semaphore(%run_scoped3A_114 : memref<!tpu.dma_semaphore, #tpu.memory_space<semaphore_mem>>)
        %dma_wait3A_119 = arith.constant 0 : i32
        %dma_wait3A_120 = tpu.memref_slice %arg13[%add3A_110, %dma_wait3A_119] : memref<10240x64xf32, #tpu.memory_space<vmem_shared>> -> memref<128x64xf32, #tpu.memory_space<vmem_shared>>
        %dma_wait3A_121 = arith.constant 0 : i32
        %dma_wait3A_122 = tpu.memref_slice %arg13[%add3A_110, %dma_wait3A_121] : memref<10240x64xf32, #tpu.memory_space<vmem_shared>> -> memref<128x64xf32, #tpu.memory_space<vmem_shared>>
        tpu.wait_dma2 semaphore(%run_scoped3A_114 : memref<!tpu.dma_semaphore, #tpu.memory_space<semaphore_mem>>) src(%arg9 : memref<128x64xf32, #tpu.memory_space<vmem>>) dst(%dma_wait3A_122 : memref<128x64xf32, #tpu.memory_space<vmem_shared>>)
        tpu.yield
      }) : () -> ()
      %mul3A_111 = arith.constant 128 : i32
      %mul3A_112 = arith.muli %add3A_107, %mul3A_111 : i32
      %add3A_113 = arith.addi %mul3A_19, %mul3A_112 : i32
      "tpu.region"() ({
        %run_scoped3A_114 = tpu.sem_alloc : memref<!tpu.dma_semaphore, #tpu.memory_space<semaphore_mem>>
        %dma_start3A_115 = arith.constant 0 : i32
        %dma_start3A_116 = tpu.memref_slice %arg17[%add3A_113, %dma_start3A_115] : memref<10240x16xf32, #tpu.memory_space<vmem_shared>> -> memref<128x16xf32, #tpu.memory_space<vmem_shared>>
        %dma_start3A_117 = arith.constant 0 : i32
        %dma_start3A_118 = tpu.memref_slice %arg17[%add3A_113, %dma_start3A_117] : memref<10240x16xf32, #tpu.memory_space<vmem_shared>> -> memref<128x16xf32, #tpu.memory_space<vmem_shared>>
        tpu.enqueue_dma source(%arg15 : memref<128x16xf32, #tpu.memory_space<vmem>>) target(%dma_start3A_118 : memref<128x16xf32, #tpu.memory_space<vmem_shared>>) target_semaphore(%run_scoped3A_114 : memref<!tpu.dma_semaphore, #tpu.memory_space<semaphore_mem>>)
        %dma_wait3A_119 = arith.constant 0 : i32
        %dma_wait3A_120 = tpu.memref_slice %arg17[%add3A_113, %dma_wait3A_119] : memref<10240x16xf32, #tpu.memory_space<vmem_shared>> -> memref<128x16xf32, #tpu.memory_space<vmem_shared>>
        %dma_wait3A_121 = arith.constant 0 : i32
        %dma_wait3A_122 = tpu.memref_slice %arg17[%add3A_113, %dma_wait3A_121] : memref<10240x16xf32, #tpu.memory_space<vmem_shared>> -> memref<128x16xf32, #tpu.memory_space<vmem_shared>>
        tpu.wait_dma2 semaphore(%run_scoped3A_114 : memref<!tpu.dma_semaphore, #tpu.memory_space<semaphore_mem>>) src(%arg15 : memref<128x16xf32, #tpu.memory_space<vmem>>) dst(%dma_wait3A_122 : memref<128x16xf32, #tpu.memory_space<vmem_shared>>)
        tpu.yield
      }) : () -> ()
    }
    %scan3A_24 = arith.constant 5 : i32
    %dma_wait3A = arith.constant 0 : i32
    %dma_wait3A_25 = arith.constant 0 : i32
    %dma_wait3A_26 = tpu.memref_slice %arg3[%arg0, %arg1, %dma_wait3A, %dma_wait3A_25] : memref<2x16x158x128xi32, #tpu.memory_space<hbm>> -> memref<1x1x158x128xi32, #tpu.memory_space<hbm>>
    %dma_wait3A_27 = tpu.memref_squeeze %dma_wait3A_26 : memref<1x1x158x128xi32, #tpu.memory_space<hbm>> -> memref<158x128xi32, #tpu.memory_space<hbm>>
    %dma_wait3A_28 = arith.constant 0 : i32
    %dma_wait3A_29 = arith.constant 0 : i32
    %dma_wait3A_30 = tpu.memref_slice %arg3[%arg0, %arg1, %dma_wait3A_28, %dma_wait3A_29] : memref<2x16x158x128xi32, #tpu.memory_space<hbm>> -> memref<1x1x158x128xi32, #tpu.memory_space<hbm>>
    %dma_wait3A_31 = tpu.memref_squeeze %dma_wait3A_30 : memref<1x1x158x128xi32, #tpu.memory_space<hbm>> -> memref<158x128xi32, #tpu.memory_space<hbm>>
    tpu.wait_dma2 semaphore(%arg11 : memref<!tpu.dma_semaphore, #tpu.memory_space<semaphore_mem>>) src(%dma_wait3A_31 : memref<158x128xi32, #tpu.memory_space<hbm>>) dst(%arg7 : memref<158x128xi32, #tpu.memory_space<vmem>>)
    %dma_wait3A_32 = arith.constant 0 : i32
    %dma_wait3A_33 = arith.constant 0 : i32
    %dma_wait3A_34 = tpu.memref_slice %arg4[%arg1, %dma_wait3A_32, %dma_wait3A_33] : memref<16x158x128xi32, #tpu.memory_space<hbm>> -> memref<1x158x128xi32, #tpu.memory_space<hbm>>
    %dma_wait3A_35 = tpu.memref_squeeze %dma_wait3A_34 : memref<1x158x128xi32, #tpu.memory_space<hbm>> -> memref<158x128xi32, #tpu.memory_space<hbm>>
    %dma_wait3A_36 = arith.constant 0 : i32
    %dma_wait3A_37 = arith.constant 0 : i32
    %dma_wait3A_38 = tpu.memref_slice %arg4[%arg1, %dma_wait3A_36, %dma_wait3A_37] : memref<16x158x128xi32, #tpu.memory_space<hbm>> -> memref<1x158x128xi32, #tpu.memory_space<hbm>>
    %dma_wait3A_39 = tpu.memref_squeeze %dma_wait3A_38 : memref<1x158x128xi32, #tpu.memory_space<hbm>> -> memref<158x128xi32, #tpu.memory_space<hbm>>
    tpu.wait_dma2 semaphore(%arg12 : memref<!tpu.dma_semaphore, #tpu.memory_space<semaphore_mem>>) src(%dma_wait3A_39 : memref<158x128xi32, #tpu.memory_space<hbm>>) dst(%arg8 : memref<158x128xi32, #tpu.memory_space<vmem>>)
    %barrier3A = arith.constant 0 : index
    tpu.barrier barrier_id(%barrier3A)
    %dma_start3A_40 = arith.constant 0 : i32
    %dma_start3A_41 = arith.constant 0 : i32
    %dma_start3A_42 = tpu.memref_slice %arg7[%dma_start3A_40, %dma_start3A_41] : memref<158x128xi32, #tpu.memory_space<vmem>> -> memref<1x128xi32, #tpu.memory_space<vmem>>
    %dma_start3A_43 = tpu.memref_squeeze %dma_start3A_42 : memref<1x128xi32, #tpu.memory_space<vmem>> -> memref<128xi32, #tpu.memory_space<vmem>>
    %dma_start3A_44 = arith.constant 0 : i32
    %dma_start3A_45 = arith.constant 0 : i32
    %dma_start3A_46 = tpu.memref_slice %arg2[%dma_start3A_44, %dma_start3A_45] : memref<20480x64xf32, #tpu.memory_space<hbm>> -> memref<20480x64xf32, #tpu.memory_space<hbm>>
    tpu.enqueue_indirect_dma source(%dma_start3A_46 : memref<20480x64xf32, #tpu.memory_space<hbm>>) target(%arg9 : memref<128x64xf32, #tpu.memory_space<vmem>>) offsets(%dma_start3A_43 : memref<128xi32, #tpu.memory_space<vmem>>) semaphore(%arg11 : memref<!tpu.dma_semaphore, #tpu.memory_space<semaphore_mem>>)
    %scan3A_47 = arith.constant 0 : i32
    %scan3A_48 = arith.constant 78 : i32
    %scan3A_49 = arith.addi %scan3A_47, %scan3A_48 : i32
    %scan3A_50 = arith.constant 1 : i32
    scf.for %scan3A_103 = %scan3A_47 to %scan3A_49 step %scan3A_50  : i32 {
      %mul3A_104 = arith.constant 2 : i32
      %mul3A_105 = arith.muli %scan3A_103, %mul3A_104 : i32
      %add3A_106 = arith.constant 0 : i32
      %add3A_107 = arith.addi %add3A_106, %mul3A_105 : i32
      %add3A_108 = arith.constant 0 : i32
      %add3A_109 = arith.addi %add3A_107, %add3A_108 : i32
      %add3A_110 = arith.constant 1 : i32
      %add3A_111 = arith.addi %add3A_109, %add3A_110 : i32
      %dma_start3A_112 = arith.constant 0 : i32
      %dma_start3A_113 = tpu.memref_slice %arg7[%add3A_111, %dma_start3A_112] : memref<158x128xi32, #tpu.memory_space<vmem>> -> memref<1x128xi32, #tpu.memory_space<vmem>>
      %dma_start3A_114 = tpu.memref_squeeze %dma_start3A_113 : memref<1x128xi32, #tpu.memory_space<vmem>> -> memref<128xi32, #tpu.memory_space<vmem>>
      %dma_start3A_115 = arith.constant 0 : i32
      %dma_start3A_116 = arith.constant 0 : i32
      %dma_start3A_117 = tpu.memref_slice %arg2[%dma_start3A_115, %dma_start3A_116] : memref<20480x64xf32, #tpu.memory_space<hbm>> -> memref<20480x64xf32, #tpu.memory_space<hbm>>
      tpu.enqueue_indirect_dma source(%dma_start3A_117 : memref<20480x64xf32, #tpu.memory_space<hbm>>) target(%arg10 : memref<128x64xf32, #tpu.memory_space<vmem>>) offsets(%dma_start3A_114 : memref<128xi32, #tpu.memory_space<vmem>>) semaphore(%arg12 : memref<!tpu.dma_semaphore, #tpu.memory_space<semaphore_mem>>)
      %dma_wait3A_118 = arith.constant 0 : i32
      %dma_wait3A_119 = tpu.memref_slice %arg7[%add3A_109, %dma_wait3A_118] : memref<158x128xi32, #tpu.memory_space<vmem>> -> memref<1x128xi32, #tpu.memory_space<vmem>>
      %dma_wait3A_120 = tpu.memref_squeeze %dma_wait3A_119 : memref<1x128xi32, #tpu.memory_space<vmem>> -> memref<128xi32, #tpu.memory_space<vmem>>
      %dma_wait3A_121 = arith.constant 0 : i32
      %dma_wait3A_122 = arith.constant 0 : i32
      %dma_wait3A_123 = tpu.memref_slice %arg2[%dma_wait3A_121, %dma_wait3A_122] : memref<20480x64xf32, #tpu.memory_space<hbm>> -> memref<20480x64xf32, #tpu.memory_space<hbm>>
      tpu.wait_indirect_dma semaphore(%arg11 : memref<!tpu.dma_semaphore, #tpu.memory_space<semaphore_mem>>) src(%dma_wait3A_123 : memref<20480x64xf32, #tpu.memory_space<hbm>>) dst(%arg9 : memref<128x64xf32, #tpu.memory_space<vmem>>)
      "tpu.region"() ({
        %run_scoped3A_159 = tpu.sem_alloc : memref<!tpu.dma_semaphore, #tpu.memory_space<semaphore_mem>>
        %dma_start3A_160 = arith.constant 0 : i32
        %dma_start3A_161 = tpu.memref_slice %arg8[%add3A_109, %dma_start3A_160] : memref<158x128xi32, #tpu.memory_space<vmem>> -> memref<1x128xi32, #tpu.memory_space<vmem>>
        %dma_start3A_162 = tpu.memref_squeeze %dma_start3A_161 : memref<1x128xi32, #tpu.memory_space<vmem>> -> memref<128xi32, #tpu.memory_space<vmem>>
        %dma_start3A_163 = arith.constant 0 : i32
        %dma_start3A_164 = arith.constant 0 : i32
        %dma_start3A_165 = tpu.memref_slice %arg13[%dma_start3A_163, %dma_start3A_164] : memref<10240x64xf32, #tpu.memory_space<vmem_shared>> -> memref<10240x64xf32, #tpu.memory_space<vmem_shared>>
        tpu.enqueue_indirect_dma source(%arg9 : memref<128x64xf32, #tpu.memory_space<vmem>>) target(%dma_start3A_165 : memref<10240x64xf32, #tpu.memory_space<vmem_shared>>) offsets(%dma_start3A_162 : memref<128xi32, #tpu.memory_space<vmem>>) semaphore(%run_scoped3A_159 : memref<!tpu.dma_semaphore, #tpu.memory_space<semaphore_mem>>) {add = true}
        %dma_wait3A_166 = arith.constant 0 : i32
        %dma_wait3A_167 = tpu.memref_slice %arg8[%add3A_109, %dma_wait3A_166] : memref<158x128xi32, #tpu.memory_space<vmem>> -> memref<1x128xi32, #tpu.memory_space<vmem>>
        %dma_wait3A_168 = tpu.memref_squeeze %dma_wait3A_167 : memref<1x128xi32, #tpu.memory_space<vmem>> -> memref<128xi32, #tpu.memory_space<vmem>>
        %dma_wait3A_169 = arith.constant 0 : i32
        %dma_wait3A_170 = arith.constant 0 : i32
        %dma_wait3A_171 = tpu.memref_slice %arg13[%dma_wait3A_169, %dma_wait3A_170] : memref<10240x64xf32, #tpu.memory_space<vmem_shared>> -> memref<10240x64xf32, #tpu.memory_space<vmem_shared>>
        tpu.wait_indirect_dma semaphore(%run_scoped3A_159 : memref<!tpu.dma_semaphore, #tpu.memory_space<semaphore_mem>>) src(%arg9 : memref<128x64xf32, #tpu.memory_space<vmem>>) dst(%dma_wait3A_171 : memref<10240x64xf32, #tpu.memory_space<vmem_shared>>)
        tpu.yield
      }) : () -> ()
      %mul3A_124 = arith.constant 79 : i32
      %mul3A_125 = arith.muli %arg0, %mul3A_124 : i32
      %le3A_126 = arith.cmpi sle, %mul3A_125, %add3A_109 : i32
      %add3A_127 = arith.constant 79 : i32
      %add3A_128 = arith.addi %mul3A_125, %add3A_127 : i32
      %lt3A = arith.cmpi slt, %add3A_109, %add3A_128 : i32
      %and3A_129 = arith.andi %le3A_126, %lt3A : i1
      %convert_element_type3A_130 = arith.extui %and3A_129 : i1 to i32
      %cond3A_131 = arith.constant 0 : i32
      %cond3A_132 = arith.cmpi ne, %convert_element_type3A_130, %cond3A_131 : i32
      scf.if %cond3A_132 {
        %dma_start3A_159 = arith.constant 0 : i32
        %dma_start3A_160 = tpu.memref_slice %arg8[%add3A_109, %dma_start3A_159] : memref<158x128xi32, #tpu.memory_space<vmem>> -> memref<1x128xi32, #tpu.memory_space<vmem>>
        %dma_start3A_161 = tpu.memref_squeeze %dma_start3A_160 : memref<1x128xi32, #tpu.memory_space<vmem>> -> memref<128xi32, #tpu.memory_space<vmem>>
        %dma_start3A_162 = arith.constant 0 : i32
        %dma_start3A_163 = arith.constant 0 : i32
        %dma_start3A_164 = tpu.memref_slice %arg17[%dma_start3A_162, %dma_start3A_163] : memref<10240x16xf32, #tpu.memory_space<vmem_shared>> -> memref<10240x16xf32, #tpu.memory_space<vmem_shared>>
        tpu.enqueue_indirect_dma source(%arg14 : memref<128x16xf32, #tpu.memory_space<vmem>>) target(%dma_start3A_164 : memref<10240x16xf32, #tpu.memory_space<vmem_shared>>) offsets(%dma_start3A_161 : memref<128xi32, #tpu.memory_space<vmem>>) semaphore(%arg16 : memref<!tpu.dma_semaphore, #tpu.memory_space<semaphore_mem>>) {add = true}
      } else {
      }
      %add3A_133 = arith.constant 1 : i32
      %add3A_134 = arith.addi %add3A_107, %add3A_133 : i32
      %add3A_135 = arith.constant 1 : i32
      %add3A_136 = arith.addi %add3A_134, %add3A_135 : i32
      %dma_start3A_137 = arith.constant 0 : i32
      %dma_start3A_138 = tpu.memref_slice %arg7[%add3A_136, %dma_start3A_137] : memref<158x128xi32, #tpu.memory_space<vmem>> -> memref<1x128xi32, #tpu.memory_space<vmem>>
      %dma_start3A_139 = tpu.memref_squeeze %dma_start3A_138 : memref<1x128xi32, #tpu.memory_space<vmem>> -> memref<128xi32, #tpu.memory_space<vmem>>
      %dma_start3A_140 = arith.constant 0 : i32
      %dma_start3A_141 = arith.constant 0 : i32
      %dma_start3A_142 = tpu.memref_slice %arg2[%dma_start3A_140, %dma_start3A_141] : memref<20480x64xf32, #tpu.memory_space<hbm>> -> memref<20480x64xf32, #tpu.memory_space<hbm>>
      tpu.enqueue_indirect_dma source(%dma_start3A_142 : memref<20480x64xf32, #tpu.memory_space<hbm>>) target(%arg9 : memref<128x64xf32, #tpu.memory_space<vmem>>) offsets(%dma_start3A_139 : memref<128xi32, #tpu.memory_space<vmem>>) semaphore(%arg11 : memref<!tpu.dma_semaphore, #tpu.memory_space<semaphore_mem>>)
      %dma_wait3A_143 = arith.constant 0 : i32
      %dma_wait3A_144 = tpu.memref_slice %arg7[%add3A_134, %dma_wait3A_143] : memref<158x128xi32, #tpu.memory_space<vmem>> -> memref<1x128xi32, #tpu.memory_space<vmem>>
      %dma_wait3A_145 = tpu.memref_squeeze %dma_wait3A_144 : memref<1x128xi32, #tpu.memory_space<vmem>> -> memref<128xi32, #tpu.memory_space<vmem>>
      %dma_wait3A_146 = arith.constant 0 : i32
      %dma_wait3A_147 = arith.constant 0 : i32
      %dma_wait3A_148 = tpu.memref_slice %arg2[%dma_wait3A_146, %dma_wait3A_147] : memref<20480x64xf32, #tpu.memory_space<hbm>> -> memref<20480x64xf32, #tpu.memory_space<hbm>>
      tpu.wait_indirect_dma semaphore(%arg12 : memref<!tpu.dma_semaphore, #tpu.memory_space<semaphore_mem>>) src(%dma_wait3A_148 : memref<20480x64xf32, #tpu.memory_space<hbm>>) dst(%arg10 : memref<128x64xf32, #tpu.memory_space<vmem>>)
      "tpu.region"() ({
        %run_scoped3A_159 = tpu.sem_alloc : memref<!tpu.dma_semaphore, #tpu.memory_space<semaphore_mem>>
        %dma_start3A_160 = arith.constant 0 : i32
        %dma_start3A_161 = tpu.memref_slice %arg8[%add3A_134, %dma_start3A_160] : memref<158x128xi32, #tpu.memory_space<vmem>> -> memref<1x128xi32, #tpu.memory_space<vmem>>
        %dma_start3A_162 = tpu.memref_squeeze %dma_start3A_161 : memref<1x128xi32, #tpu.memory_space<vmem>> -> memref<128xi32, #tpu.memory_space<vmem>>
        %dma_start3A_163 = arith.constant 0 : i32
        %dma_start3A_164 = arith.constant 0 : i32
        %dma_start3A_165 = tpu.memref_slice %arg13[%dma_start3A_163, %dma_start3A_164] : memref<10240x64xf32, #tpu.memory_space<vmem_shared>> -> memref<10240x64xf32, #tpu.memory_space<vmem_shared>>
        tpu.enqueue_indirect_dma source(%arg10 : memref<128x64xf32, #tpu.memory_space<vmem>>) target(%dma_start3A_165 : memref<10240x64xf32, #tpu.memory_space<vmem_shared>>) offsets(%dma_start3A_162 : memref<128xi32, #tpu.memory_space<vmem>>) semaphore(%run_scoped3A_159 : memref<!tpu.dma_semaphore, #tpu.memory_space<semaphore_mem>>) {add = true}
        %dma_wait3A_166 = arith.constant 0 : i32
        %dma_wait3A_167 = tpu.memref_slice %arg8[%add3A_134, %dma_wait3A_166] : memref<158x128xi32, #tpu.memory_space<vmem>> -> memref<1x128xi32, #tpu.memory_space<vmem>>
        %dma_wait3A_168 = tpu.memref_squeeze %dma_wait3A_167 : memref<1x128xi32, #tpu.memory_space<vmem>> -> memref<128xi32, #tpu.memory_space<vmem>>
        %dma_wait3A_169 = arith.constant 0 : i32
        %dma_wait3A_170 = arith.constant 0 : i32
        %dma_wait3A_171 = tpu.memref_slice %arg13[%dma_wait3A_169, %dma_wait3A_170] : memref<10240x64xf32, #tpu.memory_space<vmem_shared>> -> memref<10240x64xf32, #tpu.memory_space<vmem_shared>>
        tpu.wait_indirect_dma semaphore(%run_scoped3A_159 : memref<!tpu.dma_semaphore, #tpu.memory_space<semaphore_mem>>) src(%arg10 : memref<128x64xf32, #tpu.memory_space<vmem>>) dst(%dma_wait3A_171 : memref<10240x64xf32, #tpu.memory_space<vmem_shared>>)
        tpu.yield
      }) : () -> ()
      %mul3A_149 = arith.constant 79 : i32
      %mul3A_150 = arith.muli %arg0, %mul3A_149 : i32
      %le3A_151 = arith.cmpi sle, %mul3A_150, %add3A_134 : i32
      %add3A_152 = arith.constant 79 : i32
      %add3A_153 = arith.addi %mul3A_150, %add3A_152 : i32
      %lt3A_154 = arith.cmpi slt, %add3A_134, %add3A_153 : i32
      %and3A_155 = arith.andi %le3A_151, %lt3A_154 : i1
      %convert_element_type3A_156 = arith.extui %and3A_155 : i1 to i32
      %cond3A_157 = arith.constant 0 : i32
      %cond3A_158 = arith.cmpi ne, %convert_element_type3A_156, %cond3A_157 : i32
      scf.if %cond3A_158 {
        %dma_start3A_159 = arith.constant 0 : i32
        %dma_start3A_160 = tpu.memref_slice %arg8[%add3A_134, %dma_start3A_159] : memref<158x128xi32, #tpu.memory_space<vmem>> -> memref<1x128xi32, #tpu.memory_space<vmem>>
        %dma_start3A_161 = tpu.memref_squeeze %dma_start3A_160 : memref<1x128xi32, #tpu.memory_space<vmem>> -> memref<128xi32, #tpu.memory_space<vmem>>
        %dma_start3A_162 = arith.constant 0 : i32
        %dma_start3A_163 = arith.constant 0 : i32
        %dma_start3A_164 = tpu.memref_slice %arg17[%dma_start3A_162, %dma_start3A_163] : memref<10240x16xf32, #tpu.memory_space<vmem_shared>> -> memref<10240x16xf32, #tpu.memory_space<vmem_shared>>
        tpu.enqueue_indirect_dma source(%arg14 : memref<128x16xf32, #tpu.memory_space<vmem>>) target(%dma_start3A_164 : memref<10240x16xf32, #tpu.memory_space<vmem_shared>>) offsets(%dma_start3A_161 : memref<128xi32, #tpu.memory_space<vmem>>) semaphore(%arg16 : memref<!tpu.dma_semaphore, #tpu.memory_space<semaphore_mem>>) {add = true}
      } else {
      }
    }
    %scan3A_51 = arith.constant 78 : i32
    %dma_start3A_52 = arith.constant 157 : i32
    %dma_start3A_53 = arith.constant 0 : i32
    %dma_start3A_54 = tpu.memref_slice %arg7[%dma_start3A_52, %dma_start3A_53] : memref<158x128xi32, #tpu.memory_space<vmem>> -> memref<1x128xi32, #tpu.memory_space<vmem>>
    %dma_start3A_55 = tpu.memref_squeeze %dma_start3A_54 : memref<1x128xi32, #tpu.memory_space<vmem>> -> memref<128xi32, #tpu.memory_space<vmem>>
    %dma_start3A_56 = arith.constant 0 : i32
    %dma_start3A_57 = arith.constant 0 : i32
    %dma_start3A_58 = tpu.memref_slice %arg2[%dma_start3A_56, %dma_start3A_57] : memref<20480x64xf32, #tpu.memory_space<hbm>> -> memref<20480x64xf32, #tpu.memory_space<hbm>>
    tpu.enqueue_indirect_dma source(%dma_start3A_58 : memref<20480x64xf32, #tpu.memory_space<hbm>>) target(%arg10 : memref<128x64xf32, #tpu.memory_space<vmem>>) offsets(%dma_start3A_55 : memref<128xi32, #tpu.memory_space<vmem>>) semaphore(%arg12 : memref<!tpu.dma_semaphore, #tpu.memory_space<semaphore_mem>>)
    %dma_wait3A_59 = arith.constant 156 : i32
    %dma_wait3A_60 = arith.constant 0 : i32
    %dma_wait3A_61 = tpu.memref_slice %arg7[%dma_wait3A_59, %dma_wait3A_60] : memref<158x128xi32, #tpu.memory_space<vmem>> -> memref<1x128xi32, #tpu.memory_space<vmem>>
    %dma_wait3A_62 = tpu.memref_squeeze %dma_wait3A_61 : memref<1x128xi32, #tpu.memory_space<vmem>> -> memref<128xi32, #tpu.memory_space<vmem>>
    %dma_wait3A_63 = arith.constant 0 : i32
    %dma_wait3A_64 = arith.constant 0 : i32
    %dma_wait3A_65 = tpu.memref_slice %arg2[%dma_wait3A_63, %dma_wait3A_64] : memref<20480x64xf32, #tpu.memory_space<hbm>> -> memref<20480x64xf32, #tpu.memory_space<hbm>>
    tpu.wait_indirect_dma semaphore(%arg11 : memref<!tpu.dma_semaphore, #tpu.memory_space<semaphore_mem>>) src(%dma_wait3A_65 : memref<20480x64xf32, #tpu.memory_space<hbm>>) dst(%arg9 : memref<128x64xf32, #tpu.memory_space<vmem>>)
    %run_scoped3A = arith.constant 156 : i32
    "tpu.region"() ({
      %run_scoped3A_103 = tpu.sem_alloc : memref<!tpu.dma_semaphore, #tpu.memory_space<semaphore_mem>>
      %dma_start3A_104 = arith.constant 0 : i32
      %dma_start3A_105 = tpu.memref_slice %arg8[%run_scoped3A, %dma_start3A_104] : memref<158x128xi32, #tpu.memory_space<vmem>> -> memref<1x128xi32, #tpu.memory_space<vmem>>
      %dma_start3A_106 = tpu.memref_squeeze %dma_start3A_105 : memref<1x128xi32, #tpu.memory_space<vmem>> -> memref<128xi32, #tpu.memory_space<vmem>>
      %dma_start3A_107 = arith.constant 0 : i32
      %dma_start3A_108 = arith.constant 0 : i32
      %dma_start3A_109 = tpu.memref_slice %arg13[%dma_start3A_107, %dma_start3A_108] : memref<10240x64xf32, #tpu.memory_space<vmem_shared>> -> memref<10240x64xf32, #tpu.memory_space<vmem_shared>>
      tpu.enqueue_indirect_dma source(%arg9 : memref<128x64xf32, #tpu.memory_space<vmem>>) target(%dma_start3A_109 : memref<10240x64xf32, #tpu.memory_space<vmem_shared>>) offsets(%dma_start3A_106 : memref<128xi32, #tpu.memory_space<vmem>>) semaphore(%run_scoped3A_103 : memref<!tpu.dma_semaphore, #tpu.memory_space<semaphore_mem>>) {add = true}
      %dma_wait3A_110 = arith.constant 0 : i32
      %dma_wait3A_111 = tpu.memref_slice %arg8[%run_scoped3A, %dma_wait3A_110] : memref<158x128xi32, #tpu.memory_space<vmem>> -> memref<1x128xi32, #tpu.memory_space<vmem>>
      %dma_wait3A_112 = tpu.memref_squeeze %dma_wait3A_111 : memref<1x128xi32, #tpu.memory_space<vmem>> -> memref<128xi32, #tpu.memory_space<vmem>>
      %dma_wait3A_113 = arith.constant 0 : i32
      %dma_wait3A_114 = arith.constant 0 : i32
      %dma_wait3A_115 = tpu.memref_slice %arg13[%dma_wait3A_113, %dma_wait3A_114] : memref<10240x64xf32, #tpu.memory_space<vmem_shared>> -> memref<10240x64xf32, #tpu.memory_space<vmem_shared>>
      tpu.wait_indirect_dma semaphore(%run_scoped3A_103 : memref<!tpu.dma_semaphore, #tpu.memory_space<semaphore_mem>>) src(%arg9 : memref<128x64xf32, #tpu.memory_space<vmem>>) dst(%dma_wait3A_115 : memref<10240x64xf32, #tpu.memory_space<vmem_shared>>)
      tpu.yield
    }) : () -> ()
    %mul3A_66 = arith.constant 79 : i32
    %mul3A_67 = arith.muli %arg0, %mul3A_66 : i32
    %le3A = arith.constant 156 : i32
    %le3A_68 = arith.cmpi sle, %mul3A_67, %le3A : i32
    %add3A = arith.constant 79 : i32
    %add3A_69 = arith.addi %mul3A_67, %add3A : i32
    %gt3A = arith.constant 156 : i32
    %gt3A_70 = arith.cmpi sgt, %add3A_69, %gt3A : i32
    %and3A = arith.andi %le3A_68, %gt3A_70 : i1
    %convert_element_type3A = arith.extui %and3A : i1 to i32
    %cond3A = arith.constant 0 : i32
    %cond3A_71 = arith.cmpi ne, %convert_element_type3A, %cond3A : i32
    scf.if %cond3A_71 {
      %dma_start3A_103 = arith.constant 156 : i32
      %dma_start3A_104 = arith.constant 0 : i32
      %dma_start3A_105 = tpu.memref_slice %arg8[%dma_start3A_103, %dma_start3A_104] : memref<158x128xi32, #tpu.memory_space<vmem>> -> memref<1x128xi32, #tpu.memory_space<vmem>>
      %dma_start3A_106 = tpu.memref_squeeze %dma_start3A_105 : memref<1x128xi32, #tpu.memory_space<vmem>> -> memref<128xi32, #tpu.memory_space<vmem>>
      %dma_start3A_107 = arith.constant 0 : i32
      %dma_start3A_108 = arith.constant 0 : i32
      %dma_start3A_109 = tpu.memref_slice %arg17[%dma_start3A_107, %dma_start3A_108] : memref<10240x16xf32, #tpu.memory_space<vmem_shared>> -> memref<10240x16xf32, #tpu.memory_space<vmem_shared>>
      tpu.enqueue_indirect_dma source(%arg14 : memref<128x16xf32, #tpu.memory_space<vmem>>) target(%dma_start3A_109 : memref<10240x16xf32, #tpu.memory_space<vmem_shared>>) offsets(%dma_start3A_106 : memref<128xi32, #tpu.memory_space<vmem>>) semaphore(%arg16 : memref<!tpu.dma_semaphore, #tpu.memory_space<semaphore_mem>>) {add = true}
    } else {
    }
    %dma_wait3A_72 = arith.constant 157 : i32
    %dma_wait3A_73 = arith.constant 0 : i32
    %dma_wait3A_74 = tpu.memref_slice %arg7[%dma_wait3A_72, %dma_wait3A_73] : memref<158x128xi32, #tpu.memory_space<vmem>> -> memref<1x128xi32, #tpu.memory_space<vmem>>
    %dma_wait3A_75 = tpu.memref_squeeze %dma_wait3A_74 : memref<1x128xi32, #tpu.memory_space<vmem>> -> memref<128xi32, #tpu.memory_space<vmem>>
    %dma_wait3A_76 = arith.constant 0 : i32
    %dma_wait3A_77 = arith.constant 0 : i32
    %dma_wait3A_78 = tpu.memref_slice %arg2[%dma_wait3A_76, %dma_wait3A_77] : memref<20480x64xf32, #tpu.memory_space<hbm>> -> memref<20480x64xf32, #tpu.memory_space<hbm>>
    tpu.wait_indirect_dma semaphore(%arg12 : memref<!tpu.dma_semaphore, #tpu.memory_space<semaphore_mem>>) src(%dma_wait3A_78 : memref<20480x64xf32, #tpu.memory_space<hbm>>) dst(%arg10 : memref<128x64xf32, #tpu.memory_space<vmem>>)
    %run_scoped3A_79 = arith.constant 157 : i32
    "tpu.region"() ({
      %run_scoped3A_103 = tpu.sem_alloc : memref<!tpu.dma_semaphore, #tpu.memory_space<semaphore_mem>>
      %dma_start3A_104 = arith.constant 0 : i32
      %dma_start3A_105 = tpu.memref_slice %arg8[%run_scoped3A_79, %dma_start3A_104] : memref<158x128xi32, #tpu.memory_space<vmem>> -> memref<1x128xi32, #tpu.memory_space<vmem>>
      %dma_start3A_106 = tpu.memref_squeeze %dma_start3A_105 : memref<1x128xi32, #tpu.memory_space<vmem>> -> memref<128xi32, #tpu.memory_space<vmem>>
      %dma_start3A_107 = arith.constant 0 : i32
      %dma_start3A_108 = arith.constant 0 : i32
      %dma_start3A_109 = tpu.memref_slice %arg13[%dma_start3A_107, %dma_start3A_108] : memref<10240x64xf32, #tpu.memory_space<vmem_shared>> -> memref<10240x64xf32, #tpu.memory_space<vmem_shared>>
      tpu.enqueue_indirect_dma source(%arg10 : memref<128x64xf32, #tpu.memory_space<vmem>>) target(%dma_start3A_109 : memref<10240x64xf32, #tpu.memory_space<vmem_shared>>) offsets(%dma_start3A_106 : memref<128xi32, #tpu.memory_space<vmem>>) semaphore(%run_scoped3A_103 : memref<!tpu.dma_semaphore, #tpu.memory_space<semaphore_mem>>) {add = true}
      %dma_wait3A_110 = arith.constant 0 : i32
      %dma_wait3A_111 = tpu.memref_slice %arg8[%run_scoped3A_79, %dma_wait3A_110] : memref<158x128xi32, #tpu.memory_space<vmem>> -> memref<1x128xi32, #tpu.memory_space<vmem>>
      %dma_wait3A_112 = tpu.memref_squeeze %dma_wait3A_111 : memref<1x128xi32, #tpu.memory_space<vmem>> -> memref<128xi32, #tpu.memory_space<vmem>>
      %dma_wait3A_113 = arith.constant 0 : i32
      %dma_wait3A_114 = arith.constant 0 : i32
      %dma_wait3A_115 = tpu.memref_slice %arg13[%dma_wait3A_113, %dma_wait3A_114] : memref<10240x64xf32, #tpu.memory_space<vmem_shared>> -> memref<10240x64xf32, #tpu.memory_space<vmem_shared>>
      tpu.wait_indirect_dma semaphore(%run_scoped3A_103 : memref<!tpu.dma_semaphore, #tpu.memory_space<semaphore_mem>>) src(%arg10 : memref<128x64xf32, #tpu.memory_space<vmem>>) dst(%dma_wait3A_115 : memref<10240x64xf32, #tpu.memory_space<vmem_shared>>)
      tpu.yield
    }) : () -> ()
    %mul3A_80 = arith.constant 79 : i32
    %mul3A_81 = arith.muli %arg0, %mul3A_80 : i32
    %le3A_82 = arith.constant 157 : i32
    %le3A_83 = arith.cmpi sle, %mul3A_81, %le3A_82 : i32
    %add3A_84 = arith.constant 79 : i32
    %add3A_85 = arith.addi %mul3A_81, %add3A_84 : i32
    %gt3A_86 = arith.constant 157 : i32
    %gt3A_87 = arith.cmpi sgt, %add3A_85, %gt3A_86 : i32
    %and3A_88 = arith.andi %le3A_83, %gt3A_87 : i1
    %convert_element_type3A_89 = arith.extui %and3A_88 : i1 to i32
    %cond3A_90 = arith.constant 0 : i32
    %cond3A_91 = arith.cmpi ne, %convert_element_type3A_89, %cond3A_90 : i32
    scf.if %cond3A_91 {
      %dma_start3A_103 = arith.constant 157 : i32
      %dma_start3A_104 = arith.constant 0 : i32
      %dma_start3A_105 = tpu.memref_slice %arg8[%dma_start3A_103, %dma_start3A_104] : memref<158x128xi32, #tpu.memory_space<vmem>> -> memref<1x128xi32, #tpu.memory_space<vmem>>
      %dma_start3A_106 = tpu.memref_squeeze %dma_start3A_105 : memref<1x128xi32, #tpu.memory_space<vmem>> -> memref<128xi32, #tpu.memory_space<vmem>>
      %dma_start3A_107 = arith.constant 0 : i32
      %dma_start3A_108 = arith.constant 0 : i32
      %dma_start3A_109 = tpu.memref_slice %arg17[%dma_start3A_107, %dma_start3A_108] : memref<10240x16xf32, #tpu.memory_space<vmem_shared>> -> memref<10240x16xf32, #tpu.memory_space<vmem_shared>>
      tpu.enqueue_indirect_dma source(%arg14 : memref<128x16xf32, #tpu.memory_space<vmem>>) target(%dma_start3A_109 : memref<10240x16xf32, #tpu.memory_space<vmem_shared>>) offsets(%dma_start3A_106 : memref<128xi32, #tpu.memory_space<vmem>>) semaphore(%arg16 : memref<!tpu.dma_semaphore, #tpu.memory_space<semaphore_mem>>) {add = true}
    } else {
    }
    %scan3A_92 = arith.constant 0 : i32
    %scan3A_93 = arith.constant 79 : i32
    %scan3A_94 = arith.addi %scan3A_92, %scan3A_93 : i32
    %scan3A_95 = arith.constant 1 : i32
    scf.for %scan3A_103 = %scan3A_92 to %scan3A_94 step %scan3A_95  : i32 {
      %mul3A_104 = arith.constant 1 : i32
      %mul3A_105 = arith.muli %scan3A_103, %mul3A_104 : i32
      %add3A_106 = arith.constant 0 : i32
      %add3A_107 = arith.addi %add3A_106, %mul3A_105 : i32
      %dma_wait3A_108 = arith.constant 0 : i32
      %dma_wait3A_109 = arith.constant 0 : i32
      %dma_wait3A_110 = tpu.memref_slice %arg8[%dma_wait3A_108, %dma_wait3A_109] : memref<158x128xi32, #tpu.memory_space<vmem>> -> memref<1x128xi32, #tpu.memory_space<vmem>>
      %dma_wait3A_111 = tpu.memref_squeeze %dma_wait3A_110 : memref<1x128xi32, #tpu.memory_space<vmem>> -> memref<128xi32, #tpu.memory_space<vmem>>
      %dma_wait3A_112 = arith.constant 0 : i32
      %dma_wait3A_113 = arith.constant 0 : i32
      %dma_wait3A_114 = tpu.memref_slice %arg17[%dma_wait3A_112, %dma_wait3A_113] : memref<10240x16xf32, #tpu.memory_space<vmem_shared>> -> memref<10240x16xf32, #tpu.memory_space<vmem_shared>>
      tpu.wait_indirect_dma semaphore(%arg16 : memref<!tpu.dma_semaphore, #tpu.memory_space<semaphore_mem>>) src(%arg14 : memref<128x16xf32, #tpu.memory_space<vmem>>) dst(%dma_wait3A_114 : memref<10240x16xf32, #tpu.memory_space<vmem_shared>>)
    }
    %scan3A_96 = arith.constant 79 : i32
    %barrier3A_97 = arith.constant 0 : index
    tpu.barrier barrier_id(%barrier3A_97)
    %scan3A_98 = arith.constant 0 : i32
    %scan3A_99 = arith.constant 5 : i32
    %scan3A_100 = arith.addi %scan3A_98, %scan3A_99 : i32
    %scan3A_101 = arith.constant 1 : i32
    scf.for %scan3A_103 = %scan3A_98 to %scan3A_100 step %scan3A_101  : i32 {
      %mul3A_104 = arith.constant 1 : i32
      %mul3A_105 = arith.muli %scan3A_103, %mul3A_104 : i32
      %add3A_106 = arith.constant 0 : i32
      %add3A_107 = arith.addi %add3A_106, %mul3A_105 : i32
      %mul3A_108 = arith.constant 128 : i32
      %mul3A_109 = arith.muli %add3A_107, %mul3A_108 : i32
      %add3A_110 = arith.addi %mul3A_19, %mul3A_109 : i32
      "tpu.region"() ({
        %run_scoped3A_111 = tpu.sem_alloc : memref<!tpu.dma_semaphore, #tpu.memory_space<semaphore_mem>>
        %dma_start3A_112 = arith.constant 0 : i32
        %dma_start3A_113 = tpu.memref_slice %arg5[%arg0, %add3A_110, %dma_start3A_112] : memref<2x10240x64xf32, #tpu.memory_space<hbm>> -> memref<1x128x64xf32, #tpu.memory_space<hbm>>
        %dma_start3A_114 = tpu.memref_squeeze %dma_start3A_113 : memref<1x128x64xf32, #tpu.memory_space<hbm>> -> memref<128x64xf32, #tpu.memory_space<hbm>>
        %dma_start3A_115 = arith.constant 0 : i32
        %dma_start3A_116 = tpu.memref_slice %arg13[%add3A_110, %dma_start3A_115] : memref<10240x64xf32, #tpu.memory_space<vmem_shared>> -> memref<128x64xf32, #tpu.memory_space<vmem_shared>>
        tpu.enqueue_dma source(%dma_start3A_116 : memref<128x64xf32, #tpu.memory_space<vmem_shared>>) target(%dma_start3A_114 : memref<128x64xf32, #tpu.memory_space<hbm>>) target_semaphore(%run_scoped3A_111 : memref<!tpu.dma_semaphore, #tpu.memory_space<semaphore_mem>>)
        %dma_wait3A_117 = arith.constant 0 : i32
        %dma_wait3A_118 = tpu.memref_slice %arg5[%arg0, %add3A_110, %dma_wait3A_117] : memref<2x10240x64xf32, #tpu.memory_space<hbm>> -> memref<1x128x64xf32, #tpu.memory_space<hbm>>
        %dma_wait3A_119 = tpu.memref_squeeze %dma_wait3A_118 : memref<1x128x64xf32, #tpu.memory_space<hbm>> -> memref<128x64xf32, #tpu.memory_space<hbm>>
        %dma_wait3A_120 = arith.constant 0 : i32
        %dma_wait3A_121 = tpu.memref_slice %arg13[%add3A_110, %dma_wait3A_120] : memref<10240x64xf32, #tpu.memory_space<vmem_shared>> -> memref<128x64xf32, #tpu.memory_space<vmem_shared>>
        tpu.wait_dma2 semaphore(%run_scoped3A_111 : memref<!tpu.dma_semaphore, #tpu.memory_space<semaphore_mem>>) src(%dma_wait3A_121 : memref<128x64xf32, #tpu.memory_space<vmem_shared>>) dst(%dma_wait3A_119 : memref<128x64xf32, #tpu.memory_space<hbm>>)
        tpu.yield
      }) : () -> ()
      "tpu.region"() ({
        %run_scoped3A_111 = tpu.sem_alloc : memref<!tpu.dma_semaphore, #tpu.memory_space<semaphore_mem>>
        %dma_start3A_112 = arith.constant 0 : i32
        %dma_start3A_113 = tpu.memref_slice %arg6[%arg0, %add3A_110, %dma_start3A_112] : memref<2x10240x16xf32, #tpu.memory_space<hbm>> -> memref<1x128x16xf32, #tpu.memory_space<hbm>>
        %dma_start3A_114 = tpu.memref_squeeze %dma_start3A_113 : memref<1x128x16xf32, #tpu.memory_space<hbm>> -> memref<128x16xf32, #tpu.memory_space<hbm>>
        %dma_start3A_115 = arith.constant 0 : i32
        %dma_start3A_116 = tpu.memref_slice %arg17[%add3A_110, %dma_start3A_115] : memref<10240x16xf32, #tpu.memory_space<vmem_shared>> -> memref<128x16xf32, #tpu.memory_space<vmem_shared>>
        tpu.enqueue_dma source(%dma_start3A_116 : memref<128x16xf32, #tpu.memory_space<vmem_shared>>) target(%dma_start3A_114 : memref<128x16xf32, #tpu.memory_space<hbm>>) target_semaphore(%run_scoped3A_111 : memref<!tpu.dma_semaphore, #tpu.memory_space<semaphore_mem>>)
        %dma_wait3A_117 = arith.constant 0 : i32
        %dma_wait3A_118 = tpu.memref_slice %arg6[%arg0, %add3A_110, %dma_wait3A_117] : memref<2x10240x16xf32, #tpu.memory_space<hbm>> -> memref<1x128x16xf32, #tpu.memory_space<hbm>>
        %dma_wait3A_119 = tpu.memref_squeeze %dma_wait3A_118 : memref<1x128x16xf32, #tpu.memory_space<hbm>> -> memref<128x16xf32, #tpu.memory_space<hbm>>
        %dma_wait3A_120 = arith.constant 0 : i32
        %dma_wait3A_121 = tpu.memref_slice %arg17[%add3A_110, %dma_wait3A_120] : memref<10240x16xf32, #tpu.memory_space<vmem_shared>> -> memref<128x16xf32, #tpu.memory_space<vmem_shared>>
        tpu.wait_dma2 semaphore(%run_scoped3A_111 : memref<!tpu.dma_semaphore, #tpu.memory_space<semaphore_mem>>) src(%dma_wait3A_121 : memref<128x16xf32, #tpu.memory_space<vmem_shared>>) dst(%dma_wait3A_119 : memref<128x16xf32, #tpu.memory_space<hbm>>)
        tpu.yield
      }) : () -> ()
    }
    %scan3A_102 = arith.constant 5 : i32
    return
  }
}

#map = affine_map<(d0, d1) -> (0, 0)>
#map1 = affine_map<(d0, d1) -> (0, 0, 0, 0)>
#map2 = affine_map<(d0, d1) -> (0, 0, 0)>
module attributes {stable_mosaic.version = 14 : i64} {
  func.func @body(%arg0: i32, %arg1: i32, %arg2: memref<20480x64xf32, #tpu.memory_space<hbm>>, %arg3: memref<2x16x158x128xi32, #tpu.memory_space<hbm>>, %arg4: memref<16x158x128xi32, #tpu.memory_space<hbm>>, %arg5: memref<2x10240x64xf32, #tpu.memory_space<hbm>>, %arg6: memref<158x128xi32, #tpu.memory_space<vmem>>, %arg7: memref<158x128xi32, #tpu.memory_space<vmem>>, %arg8: memref<128x64xf32, #tpu.memory_space<vmem>>, %arg9: memref<128x64xf32, #tpu.memory_space<vmem>>, %arg10: memref<!tpu.dma_semaphore, #tpu.memory_space<semaphore_mem>>, %arg11: memref<!tpu.dma_semaphore, #tpu.memory_space<semaphore_mem>>, %arg12: memref<10240x64xf32, #tpu.memory_space<vmem_shared>>) attributes {dimension_semantics = [#tpu.dimension_semantics<core_parallel>, #tpu.dimension_semantics<subcore_parallel>], iteration_bounds = array<i64: 2, 16>, scalar_prefetch = 0 : i64, scratch_operands = 7 : i64, tpu.core_type = #tpu.core_type<sc_vector_subcore>, window_params = [{transform_indices = #map}, {transform_indices = #map1}, {transform_indices = #map2}, {transform_indices = #map2}]} {
    %scan3A = arith.constant 0 : i32
    %scan3A_0 = arith.constant 128 : i32
    %scan3A_1 = arith.addi %scan3A, %scan3A_0 : i32
    %scan3A_2 = arith.constant 1 : i32
    scf.for %scan3A_80 = %scan3A to %scan3A_1 step %scan3A_2  : i32 {
      %mul3A_81 = arith.constant 1 : i32
      %mul3A_82 = arith.muli %scan3A_80, %mul3A_81 : i32
      %add3A = arith.constant 0 : i32
      %add3A_83 = arith.addi %add3A, %mul3A_82 : i32
      %scan3A_84 = arith.constant 0 : i32
      %scan3A_85 = arith.constant 4 : i32
      %scan3A_86 = arith.addi %scan3A_84, %scan3A_85 : i32
      %scan3A_87 = arith.constant 1 : i32
      scf.for %scan3A_89 = %scan3A_84 to %scan3A_86 step %scan3A_87  : i32 {
        %mul3A_90 = arith.constant 1 : i32
        %mul3A_91 = arith.muli %scan3A_89, %mul3A_90 : i32
        %add3A_92 = arith.constant 0 : i32
        %add3A_93 = arith.addi %add3A_92, %mul3A_91 : i32
        %broadcast_in_dim3A = arith.constant 0.000000e+00 : f32
        %broadcast_in_dim3A_94 = vector.broadcast %broadcast_in_dim3A : f32 to vector<16xf32>
        %mul3A_95 = arith.constant 16 : i32
        %mul3A_96 = arith.muli %add3A_93, %mul3A_95 : i32
        %swap3A = arith.index_cast %add3A_83 : i32 to index
        %swap3A_97 = arith.index_cast %mul3A_96 : i32 to index
        %swap3A_98 = tpu.vector_load %arg8[%swap3A, %swap3A_97] {strides = array<i32>} : memref<128x64xf32, #tpu.memory_space<vmem>>, vector<1x16xf32>,
        %swap3A_99 = vector.shape_cast %swap3A_98 : vector<1x16xf32> to vector<16xf32>
        %swap3A_100 = vector.shape_cast %broadcast_in_dim3A_94 : vector<16xf32> to vector<1x16xf32>
        tpu.vector_store %arg8[%swap3A, %swap3A_97], %swap3A_100 {strides = array<i32>} : memref<128x64xf32, #tpu.memory_space<vmem>>, vector<1x16xf32>,
      }
      %scan3A_88 = arith.constant 4 : i32
    }
    %scan3A_3 = arith.constant 128 : i32
    %dma_start3A = arith.constant 0 : i32
    %dma_start3A_4 = arith.constant 0 : i32
    %dma_start3A_5 = tpu.memref_slice %arg3[%arg0, %arg1, %dma_start3A, %dma_start3A_4] : memref<2x16x158x128xi32, #tpu.memory_space<hbm>> -> memref<1x1x158x128xi32, #tpu.memory_space<hbm>>
    %dma_start3A_6 = tpu.memref_squeeze %dma_start3A_5 : memref<1x1x158x128xi32, #tpu.memory_space<hbm>> -> memref<158x128xi32, #tpu.memory_space<hbm>>
    %dma_start3A_7 = arith.constant 0 : i32
    %dma_start3A_8 = arith.constant 0 : i32
    %dma_start3A_9 = tpu.memref_slice %arg3[%arg0, %arg1, %dma_start3A_7, %dma_start3A_8] : memref<2x16x158x128xi32, #tpu.memory_space<hbm>> -> memref<1x1x158x128xi32, #tpu.memory_space<hbm>>
    %dma_start3A_10 = tpu.memref_squeeze %dma_start3A_9 : memref<1x1x158x128xi32, #tpu.memory_space<hbm>> -> memref<158x128xi32, #tpu.memory_space<hbm>>
    tpu.enqueue_dma source(%dma_start3A_10 : memref<158x128xi32, #tpu.memory_space<hbm>>) target(%arg6 : memref<158x128xi32, #tpu.memory_space<vmem>>) target_semaphore(%arg10 : memref<!tpu.dma_semaphore, #tpu.memory_space<semaphore_mem>>)
    %dma_start3A_11 = arith.constant 0 : i32
    %dma_start3A_12 = arith.constant 0 : i32
    %dma_start3A_13 = tpu.memref_slice %arg4[%arg1, %dma_start3A_11, %dma_start3A_12] : memref<16x158x128xi32, #tpu.memory_space<hbm>> -> memref<1x158x128xi32, #tpu.memory_space<hbm>>
    %dma_start3A_14 = tpu.memref_squeeze %dma_start3A_13 : memref<1x158x128xi32, #tpu.memory_space<hbm>> -> memref<158x128xi32, #tpu.memory_space<hbm>>
    %dma_start3A_15 = arith.constant 0 : i32
    %dma_start3A_16 = arith.constant 0 : i32
    %dma_start3A_17 = tpu.memref_slice %arg4[%arg1, %dma_start3A_15, %dma_start3A_16] : memref<16x158x128xi32, #tpu.memory_space<hbm>> -> memref<1x158x128xi32, #tpu.memory_space<hbm>>
    %dma_start3A_18 = tpu.memref_squeeze %dma_start3A_17 : memref<1x158x128xi32, #tpu.memory_space<hbm>> -> memref<158x128xi32, #tpu.memory_space<hbm>>
    tpu.enqueue_dma source(%dma_start3A_18 : memref<158x128xi32, #tpu.memory_space<hbm>>) target(%arg7 : memref<158x128xi32, #tpu.memory_space<vmem>>) target_semaphore(%arg11 : memref<!tpu.dma_semaphore, #tpu.memory_space<semaphore_mem>>)
    %mul3A = arith.constant 640 : i32
    %mul3A_19 = arith.muli %arg1, %mul3A : i32
    %scan3A_20 = arith.constant 0 : i32
    %scan3A_21 = arith.constant 5 : i32
    %scan3A_22 = arith.addi %scan3A_20, %scan3A_21 : i32
    %scan3A_23 = arith.constant 1 : i32
    scf.for %scan3A_80 = %scan3A_20 to %scan3A_22 step %scan3A_23  : i32 {
      %mul3A_81 = arith.constant 1 : i32
      %mul3A_82 = arith.muli %scan3A_80, %mul3A_81 : i32
      %add3A = arith.constant 0 : i32
      %add3A_83 = arith.addi %add3A, %mul3A_82 : i32
      %mul3A_84 = arith.constant 128 : i32
      %mul3A_85 = arith.muli %add3A_83, %mul3A_84 : i32
      %add3A_86 = arith.addi %mul3A_19, %mul3A_85 : i32
      "tpu.region"() ({
        %run_scoped3A_87 = tpu.sem_alloc : memref<!tpu.dma_semaphore, #tpu.memory_space<semaphore_mem>>
        %dma_start3A_88 = arith.constant 0 : i32
        %dma_start3A_89 = tpu.memref_slice %arg12[%add3A_86, %dma_start3A_88] : memref<10240x64xf32, #tpu.memory_space<vmem_shared>> -> memref<128x64xf32, #tpu.memory_space<vmem_shared>>
        %dma_start3A_90 = arith.constant 0 : i32
        %dma_start3A_91 = tpu.memref_slice %arg12[%add3A_86, %dma_start3A_90] : memref<10240x64xf32, #tpu.memory_space<vmem_shared>> -> memref<128x64xf32, #tpu.memory_space<vmem_shared>>
        tpu.enqueue_dma source(%arg8 : memref<128x64xf32, #tpu.memory_space<vmem>>) target(%dma_start3A_91 : memref<128x64xf32, #tpu.memory_space<vmem_shared>>) target_semaphore(%run_scoped3A_87 : memref<!tpu.dma_semaphore, #tpu.memory_space<semaphore_mem>>)
        %dma_wait3A_92 = arith.constant 0 : i32
        %dma_wait3A_93 = tpu.memref_slice %arg12[%add3A_86, %dma_wait3A_92] : memref<10240x64xf32, #tpu.memory_space<vmem_shared>> -> memref<128x64xf32, #tpu.memory_space<vmem_shared>>
        %dma_wait3A_94 = arith.constant 0 : i32
        %dma_wait3A_95 = tpu.memref_slice %arg12[%add3A_86, %dma_wait3A_94] : memref<10240x64xf32, #tpu.memory_space<vmem_shared>> -> memref<128x64xf32, #tpu.memory_space<vmem_shared>>
        tpu.wait_dma2 semaphore(%run_scoped3A_87 : memref<!tpu.dma_semaphore, #tpu.memory_space<semaphore_mem>>) src(%arg8 : memref<128x64xf32, #tpu.memory_space<vmem>>) dst(%dma_wait3A_95 : memref<128x64xf32, #tpu.memory_space<vmem_shared>>)
        tpu.yield
      }) : () -> ()
    }
    %scan3A_24 = arith.constant 5 : i32
    %dma_wait3A = arith.constant 0 : i32
    %dma_wait3A_25 = arith.constant 0 : i32
    %dma_wait3A_26 = tpu.memref_slice %arg3[%arg0, %arg1, %dma_wait3A, %dma_wait3A_25] : memref<2x16x158x128xi32, #tpu.memory_space<hbm>> -> memref<1x1x158x128xi32, #tpu.memory_space<hbm>>
    %dma_wait3A_27 = tpu.memref_squeeze %dma_wait3A_26 : memref<1x1x158x128xi32, #tpu.memory_space<hbm>> -> memref<158x128xi32, #tpu.memory_space<hbm>>
    %dma_wait3A_28 = arith.constant 0 : i32
    %dma_wait3A_29 = arith.constant 0 : i32
    %dma_wait3A_30 = tpu.memref_slice %arg3[%arg0, %arg1, %dma_wait3A_28, %dma_wait3A_29] : memref<2x16x158x128xi32, #tpu.memory_space<hbm>> -> memref<1x1x158x128xi32, #tpu.memory_space<hbm>>
    %dma_wait3A_31 = tpu.memref_squeeze %dma_wait3A_30 : memref<1x1x158x128xi32, #tpu.memory_space<hbm>> -> memref<158x128xi32, #tpu.memory_space<hbm>>
    tpu.wait_dma2 semaphore(%arg10 : memref<!tpu.dma_semaphore, #tpu.memory_space<semaphore_mem>>) src(%dma_wait3A_31 : memref<158x128xi32, #tpu.memory_space<hbm>>) dst(%arg6 : memref<158x128xi32, #tpu.memory_space<vmem>>)
    %dma_wait3A_32 = arith.constant 0 : i32
    %dma_wait3A_33 = arith.constant 0 : i32
    %dma_wait3A_34 = tpu.memref_slice %arg4[%arg1, %dma_wait3A_32, %dma_wait3A_33] : memref<16x158x128xi32, #tpu.memory_space<hbm>> -> memref<1x158x128xi32, #tpu.memory_space<hbm>>
    %dma_wait3A_35 = tpu.memref_squeeze %dma_wait3A_34 : memref<1x158x128xi32, #tpu.memory_space<hbm>> -> memref<158x128xi32, #tpu.memory_space<hbm>>
    %dma_wait3A_36 = arith.constant 0 : i32
    %dma_wait3A_37 = arith.constant 0 : i32
    %dma_wait3A_38 = tpu.memref_slice %arg4[%arg1, %dma_wait3A_36, %dma_wait3A_37] : memref<16x158x128xi32, #tpu.memory_space<hbm>> -> memref<1x158x128xi32, #tpu.memory_space<hbm>>
    %dma_wait3A_39 = tpu.memref_squeeze %dma_wait3A_38 : memref<1x158x128xi32, #tpu.memory_space<hbm>> -> memref<158x128xi32, #tpu.memory_space<hbm>>
    tpu.wait_dma2 semaphore(%arg11 : memref<!tpu.dma_semaphore, #tpu.memory_space<semaphore_mem>>) src(%dma_wait3A_39 : memref<158x128xi32, #tpu.memory_space<hbm>>) dst(%arg7 : memref<158x128xi32, #tpu.memory_space<vmem>>)
    %barrier3A = arith.constant 0 : index
    tpu.barrier barrier_id(%barrier3A)
    %dma_start3A_40 = arith.constant 0 : i32
    %dma_start3A_41 = arith.constant 0 : i32
    %dma_start3A_42 = tpu.memref_slice %arg6[%dma_start3A_40, %dma_start3A_41] : memref<158x128xi32, #tpu.memory_space<vmem>> -> memref<1x128xi32, #tpu.memory_space<vmem>>
    %dma_start3A_43 = tpu.memref_squeeze %dma_start3A_42 : memref<1x128xi32, #tpu.memory_space<vmem>> -> memref<128xi32, #tpu.memory_space<vmem>>
    %dma_start3A_44 = arith.constant 0 : i32
    %dma_start3A_45 = arith.constant 0 : i32
    %dma_start3A_46 = tpu.memref_slice %arg2[%dma_start3A_44, %dma_start3A_45] : memref<20480x64xf32, #tpu.memory_space<hbm>> -> memref<20480x64xf32, #tpu.memory_space<hbm>>
    tpu.enqueue_indirect_dma source(%dma_start3A_46 : memref<20480x64xf32, #tpu.memory_space<hbm>>) target(%arg8 : memref<128x64xf32, #tpu.memory_space<vmem>>) offsets(%dma_start3A_43 : memref<128xi32, #tpu.memory_space<vmem>>) semaphore(%arg10 : memref<!tpu.dma_semaphore, #tpu.memory_space<semaphore_mem>>)
    %scan3A_47 = arith.constant 0 : i32
    %scan3A_48 = arith.constant 78 : i32
    %scan3A_49 = arith.addi %scan3A_47, %scan3A_48 : i32
    %scan3A_50 = arith.constant 1 : i32
    scf.for %scan3A_80 = %scan3A_47 to %scan3A_49 step %scan3A_50  : i32 {
      %mul3A_81 = arith.constant 2 : i32
      %mul3A_82 = arith.muli %scan3A_80, %mul3A_81 : i32
      %add3A = arith.constant 0 : i32
      %add3A_83 = arith.addi %add3A, %mul3A_82 : i32
      %add3A_84 = arith.constant 0 : i32
      %add3A_85 = arith.addi %add3A_83, %add3A_84 : i32
      %add3A_86 = arith.constant 1 : i32
      %add3A_87 = arith.addi %add3A_85, %add3A_86 : i32
      %dma_start3A_88 = arith.constant 0 : i32
      %dma_start3A_89 = tpu.memref_slice %arg6[%add3A_87, %dma_start3A_88] : memref<158x128xi32, #tpu.memory_space<vmem>> -> memref<1x128xi32, #tpu.memory_space<vmem>>
      %dma_start3A_90 = tpu.memref_squeeze %dma_start3A_89 : memref<1x128xi32, #tpu.memory_space<vmem>> -> memref<128xi32, #tpu.memory_space<vmem>>
      %dma_start3A_91 = arith.constant 0 : i32
      %dma_start3A_92 = arith.constant 0 : i32
      %dma_start3A_93 = tpu.memref_slice %arg2[%dma_start3A_91, %dma_start3A_92] : memref<20480x64xf32, #tpu.memory_space<hbm>> -> memref<20480x64xf32, #tpu.memory_space<hbm>>
      tpu.enqueue_indirect_dma source(%dma_start3A_93 : memref<20480x64xf32, #tpu.memory_space<hbm>>) target(%arg9 : memref<128x64xf32, #tpu.memory_space<vmem>>) offsets(%dma_start3A_90 : memref<128xi32, #tpu.memory_space<vmem>>) semaphore(%arg11 : memref<!tpu.dma_semaphore, #tpu.memory_space<semaphore_mem>>)
      %dma_wait3A_94 = arith.constant 0 : i32
      %dma_wait3A_95 = tpu.memref_slice %arg6[%add3A_85, %dma_wait3A_94] : memref<158x128xi32, #tpu.memory_space<vmem>> -> memref<1x128xi32, #tpu.memory_space<vmem>>
      %dma_wait3A_96 = tpu.memref_squeeze %dma_wait3A_95 : memref<1x128xi32, #tpu.memory_space<vmem>> -> memref<128xi32, #tpu.memory_space<vmem>>
      %dma_wait3A_97 = arith.constant 0 : i32
      %dma_wait3A_98 = arith.constant 0 : i32
      %dma_wait3A_99 = tpu.memref_slice %arg2[%dma_wait3A_97, %dma_wait3A_98] : memref<20480x64xf32, #tpu.memory_space<hbm>> -> memref<20480x64xf32, #tpu.memory_space<hbm>>
      tpu.wait_indirect_dma semaphore(%arg10 : memref<!tpu.dma_semaphore, #tpu.memory_space<semaphore_mem>>) src(%dma_wait3A_99 : memref<20480x64xf32, #tpu.memory_space<hbm>>) dst(%arg8 : memref<128x64xf32, #tpu.memory_space<vmem>>)
      "tpu.region"() ({
        %run_scoped3A_116 = tpu.sem_alloc : memref<!tpu.dma_semaphore, #tpu.memory_space<semaphore_mem>>
        %dma_start3A_117 = arith.constant 0 : i32
        %dma_start3A_118 = tpu.memref_slice %arg7[%add3A_85, %dma_start3A_117] : memref<158x128xi32, #tpu.memory_space<vmem>> -> memref<1x128xi32, #tpu.memory_space<vmem>>
        %dma_start3A_119 = tpu.memref_squeeze %dma_start3A_118 : memref<1x128xi32, #tpu.memory_space<vmem>> -> memref<128xi32, #tpu.memory_space<vmem>>
        %dma_start3A_120 = arith.constant 0 : i32
        %dma_start3A_121 = arith.constant 0 : i32
        %dma_start3A_122 = tpu.memref_slice %arg12[%dma_start3A_120, %dma_start3A_121] : memref<10240x64xf32, #tpu.memory_space<vmem_shared>> -> memref<10240x64xf32, #tpu.memory_space<vmem_shared>>
        tpu.enqueue_indirect_dma source(%arg8 : memref<128x64xf32, #tpu.memory_space<vmem>>) target(%dma_start3A_122 : memref<10240x64xf32, #tpu.memory_space<vmem_shared>>) offsets(%dma_start3A_119 : memref<128xi32, #tpu.memory_space<vmem>>) semaphore(%run_scoped3A_116 : memref<!tpu.dma_semaphore, #tpu.memory_space<semaphore_mem>>) {add = true}
        %dma_wait3A_123 = arith.constant 0 : i32
        %dma_wait3A_124 = tpu.memref_slice %arg7[%add3A_85, %dma_wait3A_123] : memref<158x128xi32, #tpu.memory_space<vmem>> -> memref<1x128xi32, #tpu.memory_space<vmem>>
        %dma_wait3A_125 = tpu.memref_squeeze %dma_wait3A_124 : memref<1x128xi32, #tpu.memory_space<vmem>> -> memref<128xi32, #tpu.memory_space<vmem>>
        %dma_wait3A_126 = arith.constant 0 : i32
        %dma_wait3A_127 = arith.constant 0 : i32
        %dma_wait3A_128 = tpu.memref_slice %arg12[%dma_wait3A_126, %dma_wait3A_127] : memref<10240x64xf32, #tpu.memory_space<vmem_shared>> -> memref<10240x64xf32, #tpu.memory_space<vmem_shared>>
        tpu.wait_indirect_dma semaphore(%run_scoped3A_116 : memref<!tpu.dma_semaphore, #tpu.memory_space<semaphore_mem>>) src(%arg8 : memref<128x64xf32, #tpu.memory_space<vmem>>) dst(%dma_wait3A_128 : memref<10240x64xf32, #tpu.memory_space<vmem_shared>>)
        tpu.yield
      }) : () -> ()
      %add3A_100 = arith.constant 1 : i32
      %add3A_101 = arith.addi %add3A_83, %add3A_100 : i32
      %add3A_102 = arith.constant 1 : i32
      %add3A_103 = arith.addi %add3A_101, %add3A_102 : i32
      %dma_start3A_104 = arith.constant 0 : i32
      %dma_start3A_105 = tpu.memref_slice %arg6[%add3A_103, %dma_start3A_104] : memref<158x128xi32, #tpu.memory_space<vmem>> -> memref<1x128xi32, #tpu.memory_space<vmem>>
      %dma_start3A_106 = tpu.memref_squeeze %dma_start3A_105 : memref<1x128xi32, #tpu.memory_space<vmem>> -> memref<128xi32, #tpu.memory_space<vmem>>
      %dma_start3A_107 = arith.constant 0 : i32
      %dma_start3A_108 = arith.constant 0 : i32
      %dma_start3A_109 = tpu.memref_slice %arg2[%dma_start3A_107, %dma_start3A_108] : memref<20480x64xf32, #tpu.memory_space<hbm>> -> memref<20480x64xf32, #tpu.memory_space<hbm>>
      tpu.enqueue_indirect_dma source(%dma_start3A_109 : memref<20480x64xf32, #tpu.memory_space<hbm>>) target(%arg8 : memref<128x64xf32, #tpu.memory_space<vmem>>) offsets(%dma_start3A_106 : memref<128xi32, #tpu.memory_space<vmem>>) semaphore(%arg10 : memref<!tpu.dma_semaphore, #tpu.memory_space<semaphore_mem>>)
      %dma_wait3A_110 = arith.constant 0 : i32
      %dma_wait3A_111 = tpu.memref_slice %arg6[%add3A_101, %dma_wait3A_110] : memref<158x128xi32, #tpu.memory_space<vmem>> -> memref<1x128xi32, #tpu.memory_space<vmem>>
      %dma_wait3A_112 = tpu.memref_squeeze %dma_wait3A_111 : memref<1x128xi32, #tpu.memory_space<vmem>> -> memref<128xi32, #tpu.memory_space<vmem>>
      %dma_wait3A_113 = arith.constant 0 : i32
      %dma_wait3A_114 = arith.constant 0 : i32
      %dma_wait3A_115 = tpu.memref_slice %arg2[%dma_wait3A_113, %dma_wait3A_114] : memref<20480x64xf32, #tpu.memory_space<hbm>> -> memref<20480x64xf32, #tpu.memory_space<hbm>>
      tpu.wait_indirect_dma semaphore(%arg11 : memref<!tpu.dma_semaphore, #tpu.memory_space<semaphore_mem>>) src(%dma_wait3A_115 : memref<20480x64xf32, #tpu.memory_space<hbm>>) dst(%arg9 : memref<128x64xf32, #tpu.memory_space<vmem>>)
      "tpu.region"() ({
        %run_scoped3A_116 = tpu.sem_alloc : memref<!tpu.dma_semaphore, #tpu.memory_space<semaphore_mem>>
        %dma_start3A_117 = arith.constant 0 : i32
        %dma_start3A_118 = tpu.memref_slice %arg7[%add3A_101, %dma_start3A_117] : memref<158x128xi32, #tpu.memory_space<vmem>> -> memref<1x128xi32, #tpu.memory_space<vmem>>
        %dma_start3A_119 = tpu.memref_squeeze %dma_start3A_118 : memref<1x128xi32, #tpu.memory_space<vmem>> -> memref<128xi32, #tpu.memory_space<vmem>>
        %dma_start3A_120 = arith.constant 0 : i32
        %dma_start3A_121 = arith.constant 0 : i32
        %dma_start3A_122 = tpu.memref_slice %arg12[%dma_start3A_120, %dma_start3A_121] : memref<10240x64xf32, #tpu.memory_space<vmem_shared>> -> memref<10240x64xf32, #tpu.memory_space<vmem_shared>>
        tpu.enqueue_indirect_dma source(%arg9 : memref<128x64xf32, #tpu.memory_space<vmem>>) target(%dma_start3A_122 : memref<10240x64xf32, #tpu.memory_space<vmem_shared>>) offsets(%dma_start3A_119 : memref<128xi32, #tpu.memory_space<vmem>>) semaphore(%run_scoped3A_116 : memref<!tpu.dma_semaphore, #tpu.memory_space<semaphore_mem>>) {add = true}
        %dma_wait3A_123 = arith.constant 0 : i32
        %dma_wait3A_124 = tpu.memref_slice %arg7[%add3A_101, %dma_wait3A_123] : memref<158x128xi32, #tpu.memory_space<vmem>> -> memref<1x128xi32, #tpu.memory_space<vmem>>
        %dma_wait3A_125 = tpu.memref_squeeze %dma_wait3A_124 : memref<1x128xi32, #tpu.memory_space<vmem>> -> memref<128xi32, #tpu.memory_space<vmem>>
        %dma_wait3A_126 = arith.constant 0 : i32
        %dma_wait3A_127 = arith.constant 0 : i32
        %dma_wait3A_128 = tpu.memref_slice %arg12[%dma_wait3A_126, %dma_wait3A_127] : memref<10240x64xf32, #tpu.memory_space<vmem_shared>> -> memref<10240x64xf32, #tpu.memory_space<vmem_shared>>
        tpu.wait_indirect_dma semaphore(%run_scoped3A_116 : memref<!tpu.dma_semaphore, #tpu.memory_space<semaphore_mem>>) src(%arg9 : memref<128x64xf32, #tpu.memory_space<vmem>>) dst(%dma_wait3A_128 : memref<10240x64xf32, #tpu.memory_space<vmem_shared>>)
        tpu.yield
      }) : () -> ()
    }
    %scan3A_51 = arith.constant 78 : i32
    %dma_start3A_52 = arith.constant 157 : i32
    %dma_start3A_53 = arith.constant 0 : i32
    %dma_start3A_54 = tpu.memref_slice %arg6[%dma_start3A_52, %dma_start3A_53] : memref<158x128xi32, #tpu.memory_space<vmem>> -> memref<1x128xi32, #tpu.memory_space<vmem>>
    %dma_start3A_55 = tpu.memref_squeeze %dma_start3A_54 : memref<1x128xi32, #tpu.memory_space<vmem>> -> memref<128xi32, #tpu.memory_space<vmem>>
    %dma_start3A_56 = arith.constant 0 : i32
    %dma_start3A_57 = arith.constant 0 : i32
    %dma_start3A_58 = tpu.memref_slice %arg2[%dma_start3A_56, %dma_start3A_57] : memref<20480x64xf32, #tpu.memory_space<hbm>> -> memref<20480x64xf32, #tpu.memory_space<hbm>>
    tpu.enqueue_indirect_dma source(%dma_start3A_58 : memref<20480x64xf32, #tpu.memory_space<hbm>>) target(%arg9 : memref<128x64xf32, #tpu.memory_space<vmem>>) offsets(%dma_start3A_55 : memref<128xi32, #tpu.memory_space<vmem>>) semaphore(%arg11 : memref<!tpu.dma_semaphore, #tpu.memory_space<semaphore_mem>>)
    %dma_wait3A_59 = arith.constant 156 : i32
    %dma_wait3A_60 = arith.constant 0 : i32
    %dma_wait3A_61 = tpu.memref_slice %arg6[%dma_wait3A_59, %dma_wait3A_60] : memref<158x128xi32, #tpu.memory_space<vmem>> -> memref<1x128xi32, #tpu.memory_space<vmem>>
    %dma_wait3A_62 = tpu.memref_squeeze %dma_wait3A_61 : memref<1x128xi32, #tpu.memory_space<vmem>> -> memref<128xi32, #tpu.memory_space<vmem>>
    %dma_wait3A_63 = arith.constant 0 : i32
    %dma_wait3A_64 = arith.constant 0 : i32
    %dma_wait3A_65 = tpu.memref_slice %arg2[%dma_wait3A_63, %dma_wait3A_64] : memref<20480x64xf32, #tpu.memory_space<hbm>> -> memref<20480x64xf32, #tpu.memory_space<hbm>>
    tpu.wait_indirect_dma semaphore(%arg10 : memref<!tpu.dma_semaphore, #tpu.memory_space<semaphore_mem>>) src(%dma_wait3A_65 : memref<20480x64xf32, #tpu.memory_space<hbm>>) dst(%arg8 : memref<128x64xf32, #tpu.memory_space<vmem>>)
    %run_scoped3A = arith.constant 156 : i32
    "tpu.region"() ({
      %run_scoped3A_80 = tpu.sem_alloc : memref<!tpu.dma_semaphore, #tpu.memory_space<semaphore_mem>>
      %dma_start3A_81 = arith.constant 0 : i32
      %dma_start3A_82 = tpu.memref_slice %arg7[%run_scoped3A, %dma_start3A_81] : memref<158x128xi32, #tpu.memory_space<vmem>> -> memref<1x128xi32, #tpu.memory_space<vmem>>
      %dma_start3A_83 = tpu.memref_squeeze %dma_start3A_82 : memref<1x128xi32, #tpu.memory_space<vmem>> -> memref<128xi32, #tpu.memory_space<vmem>>
      %dma_start3A_84 = arith.constant 0 : i32
      %dma_start3A_85 = arith.constant 0 : i32
      %dma_start3A_86 = tpu.memref_slice %arg12[%dma_start3A_84, %dma_start3A_85] : memref<10240x64xf32, #tpu.memory_space<vmem_shared>> -> memref<10240x64xf32, #tpu.memory_space<vmem_shared>>
      tpu.enqueue_indirect_dma source(%arg8 : memref<128x64xf32, #tpu.memory_space<vmem>>) target(%dma_start3A_86 : memref<10240x64xf32, #tpu.memory_space<vmem_shared>>) offsets(%dma_start3A_83 : memref<128xi32, #tpu.memory_space<vmem>>) semaphore(%run_scoped3A_80 : memref<!tpu.dma_semaphore, #tpu.memory_space<semaphore_mem>>) {add = true}
      %dma_wait3A_87 = arith.constant 0 : i32
      %dma_wait3A_88 = tpu.memref_slice %arg7[%run_scoped3A, %dma_wait3A_87] : memref<158x128xi32, #tpu.memory_space<vmem>> -> memref<1x128xi32, #tpu.memory_space<vmem>>
      %dma_wait3A_89 = tpu.memref_squeeze %dma_wait3A_88 : memref<1x128xi32, #tpu.memory_space<vmem>> -> memref<128xi32, #tpu.memory_space<vmem>>
      %dma_wait3A_90 = arith.constant 0 : i32
      %dma_wait3A_91 = arith.constant 0 : i32
      %dma_wait3A_92 = tpu.memref_slice %arg12[%dma_wait3A_90, %dma_wait3A_91] : memref<10240x64xf32, #tpu.memory_space<vmem_shared>> -> memref<10240x64xf32, #tpu.memory_space<vmem_shared>>
      tpu.wait_indirect_dma semaphore(%run_scoped3A_80 : memref<!tpu.dma_semaphore, #tpu.memory_space<semaphore_mem>>) src(%arg8 : memref<128x64xf32, #tpu.memory_space<vmem>>) dst(%dma_wait3A_92 : memref<10240x64xf32, #tpu.memory_space<vmem_shared>>)
      tpu.yield
    }) : () -> ()
    %dma_wait3A_66 = arith.constant 157 : i32
    %dma_wait3A_67 = arith.constant 0 : i32
    %dma_wait3A_68 = tpu.memref_slice %arg6[%dma_wait3A_66, %dma_wait3A_67] : memref<158x128xi32, #tpu.memory_space<vmem>> -> memref<1x128xi32, #tpu.memory_space<vmem>>
    %dma_wait3A_69 = tpu.memref_squeeze %dma_wait3A_68 : memref<1x128xi32, #tpu.memory_space<vmem>> -> memref<128xi32, #tpu.memory_space<vmem>>
    %dma_wait3A_70 = arith.constant 0 : i32
    %dma_wait3A_71 = arith.constant 0 : i32
    %dma_wait3A_72 = tpu.memref_slice %arg2[%dma_wait3A_70, %dma_wait3A_71] : memref<20480x64xf32, #tpu.memory_space<hbm>> -> memref<20480x64xf32, #tpu.memory_space<hbm>>
    tpu.wait_indirect_dma semaphore(%arg11 : memref<!tpu.dma_semaphore, #tpu.memory_space<semaphore_mem>>) src(%dma_wait3A_72 : memref<20480x64xf32, #tpu.memory_space<hbm>>) dst(%arg9 : memref<128x64xf32, #tpu.memory_space<vmem>>)
    %run_scoped3A_73 = arith.constant 157 : i32
    "tpu.region"() ({
      %run_scoped3A_80 = tpu.sem_alloc : memref<!tpu.dma_semaphore, #tpu.memory_space<semaphore_mem>>
      %dma_start3A_81 = arith.constant 0 : i32
      %dma_start3A_82 = tpu.memref_slice %arg7[%run_scoped3A_73, %dma_start3A_81] : memref<158x128xi32, #tpu.memory_space<vmem>> -> memref<1x128xi32, #tpu.memory_space<vmem>>
      %dma_start3A_83 = tpu.memref_squeeze %dma_start3A_82 : memref<1x128xi32, #tpu.memory_space<vmem>> -> memref<128xi32, #tpu.memory_space<vmem>>
      %dma_start3A_84 = arith.constant 0 : i32
      %dma_start3A_85 = arith.constant 0 : i32
      %dma_start3A_86 = tpu.memref_slice %arg12[%dma_start3A_84, %dma_start3A_85] : memref<10240x64xf32, #tpu.memory_space<vmem_shared>> -> memref<10240x64xf32, #tpu.memory_space<vmem_shared>>
      tpu.enqueue_indirect_dma source(%arg9 : memref<128x64xf32, #tpu.memory_space<vmem>>) target(%dma_start3A_86 : memref<10240x64xf32, #tpu.memory_space<vmem_shared>>) offsets(%dma_start3A_83 : memref<128xi32, #tpu.memory_space<vmem>>) semaphore(%run_scoped3A_80 : memref<!tpu.dma_semaphore, #tpu.memory_space<semaphore_mem>>) {add = true}
      %dma_wait3A_87 = arith.constant 0 : i32
      %dma_wait3A_88 = tpu.memref_slice %arg7[%run_scoped3A_73, %dma_wait3A_87] : memref<158x128xi32, #tpu.memory_space<vmem>> -> memref<1x128xi32, #tpu.memory_space<vmem>>
      %dma_wait3A_89 = tpu.memref_squeeze %dma_wait3A_88 : memref<1x128xi32, #tpu.memory_space<vmem>> -> memref<128xi32, #tpu.memory_space<vmem>>
      %dma_wait3A_90 = arith.constant 0 : i32
      %dma_wait3A_91 = arith.constant 0 : i32
      %dma_wait3A_92 = tpu.memref_slice %arg12[%dma_wait3A_90, %dma_wait3A_91] : memref<10240x64xf32, #tpu.memory_space<vmem_shared>> -> memref<10240x64xf32, #tpu.memory_space<vmem_shared>>
      tpu.wait_indirect_dma semaphore(%run_scoped3A_80 : memref<!tpu.dma_semaphore, #tpu.memory_space<semaphore_mem>>) src(%arg9 : memref<128x64xf32, #tpu.memory_space<vmem>>) dst(%dma_wait3A_92 : memref<10240x64xf32, #tpu.memory_space<vmem_shared>>)
      tpu.yield
    }) : () -> ()
    %barrier3A_74 = arith.constant 0 : index
    tpu.barrier barrier_id(%barrier3A_74)
    %scan3A_75 = arith.constant 0 : i32
    %scan3A_76 = arith.constant 5 : i32
    %scan3A_77 = arith.addi %scan3A_75, %scan3A_76 : i32
    %scan3A_78 = arith.constant 1 : i32
    scf.for %scan3A_80 = %scan3A_75 to %scan3A_77 step %scan3A_78  : i32 {
      %mul3A_81 = arith.constant 1 : i32
      %mul3A_82 = arith.muli %scan3A_80, %mul3A_81 : i32
      %add3A = arith.constant 0 : i32
      %add3A_83 = arith.addi %add3A, %mul3A_82 : i32
      %mul3A_84 = arith.constant 128 : i32
      %mul3A_85 = arith.muli %add3A_83, %mul3A_84 : i32
      %add3A_86 = arith.addi %mul3A_19, %mul3A_85 : i32
      "tpu.region"() ({
        %run_scoped3A_87 = tpu.sem_alloc : memref<!tpu.dma_semaphore, #tpu.memory_space<semaphore_mem>>
        %dma_start3A_88 = arith.constant 0 : i32
        %dma_start3A_89 = tpu.memref_slice %arg5[%arg0, %add3A_86, %dma_start3A_88] : memref<2x10240x64xf32, #tpu.memory_space<hbm>> -> memref<1x128x64xf32, #tpu.memory_space<hbm>>
        %dma_start3A_90 = tpu.memref_squeeze %dma_start3A_89 : memref<1x128x64xf32, #tpu.memory_space<hbm>> -> memref<128x64xf32, #tpu.memory_space<hbm>>
        %dma_start3A_91 = arith.constant 0 : i32
        %dma_start3A_92 = tpu.memref_slice %arg12[%add3A_86, %dma_start3A_91] : memref<10240x64xf32, #tpu.memory_space<vmem_shared>> -> memref<128x64xf32, #tpu.memory_space<vmem_shared>>
        tpu.enqueue_dma source(%dma_start3A_92 : memref<128x64xf32, #tpu.memory_space<vmem_shared>>) target(%dma_start3A_90 : memref<128x64xf32, #tpu.memory_space<hbm>>) target_semaphore(%run_scoped3A_87 : memref<!tpu.dma_semaphore, #tpu.memory_space<semaphore_mem>>)
        %dma_wait3A_93 = arith.constant 0 : i32
        %dma_wait3A_94 = tpu.memref_slice %arg5[%arg0, %add3A_86, %dma_wait3A_93] : memref<2x10240x64xf32, #tpu.memory_space<hbm>> -> memref<1x128x64xf32, #tpu.memory_space<hbm>>
        %dma_wait3A_95 = tpu.memref_squeeze %dma_wait3A_94 : memref<1x128x64xf32, #tpu.memory_space<hbm>> -> memref<128x64xf32, #tpu.memory_space<hbm>>
        %dma_wait3A_96 = arith.constant 0 : i32
        %dma_wait3A_97 = tpu.memref_slice %arg12[%add3A_86, %dma_wait3A_96] : memref<10240x64xf32, #tpu.memory_space<vmem_shared>> -> memref<128x64xf32, #tpu.memory_space<vmem_shared>>
        tpu.wait_dma2 semaphore(%run_scoped3A_87 : memref<!tpu.dma_semaphore, #tpu.memory_space<semaphore_mem>>) src(%dma_wait3A_97 : memref<128x64xf32, #tpu.memory_space<vmem_shared>>) dst(%dma_wait3A_95 : memref<128x64xf32, #tpu.memory_space<hbm>>)
        tpu.yield
      }) : () -> ()
    }
    %scan3A_79 = arith.constant 5 : i32
    return
  }
}

module attributes {stable_mosaic.version = 14 : i64} {
  func.func @_lin_body(%arg0: i32, %arg1: memref<2x512x64xf32, #tpu.memory_space<vmem>>, %arg2: memref<128x128xf32, #tpu.memory_space<vmem>>, %arg3: memref<1x128xf32, #tpu.memory_space<vmem>>, %arg4: memref<512x128xf32, #tpu.memory_space<vmem>>) attributes {dimension_semantics = [#tpu.dimension_semantics<arbitrary>], iteration_bounds = array<i64: 20>, scalar_prefetch = 0 : i64, scratch_operands = 0 : i64, tpu.core_type = #tpu.core_type<tc>, window_params = [{transform_indices = @transform_0, window_bounds = array<i64: 2, 512, 64>}, {pipeline_mode = #tpu.pipeline_mode<synchronous>, transform_indices = @transform_1, window_bounds = array<i64: 128, 128>}, {pipeline_mode = #tpu.pipeline_mode<synchronous>, transform_indices = @transform_2, window_bounds = array<i64: 1, 128>}, {transform_indices = @transform_3, window_bounds = array<i64: 512, 128>}]} {
    %get3A = arith.constant 0 : index
    %get3A_0 = arith.constant 0 : index
    %get3A_1 = arith.constant 0 : index
    %get3A_2 = vector.load %arg1[%get3A, %get3A_0, %get3A_1] : memref<2x512x64xf32, #tpu.memory_space<vmem>>, vector<1x512x64xf32>
    %get3A_3 = vector.shape_cast %get3A_2 : vector<1x512x64xf32> to vector<512x64xf32>
    %get3A_4 = arith.constant 1 : index
    %get3A_5 = arith.constant 0 : index
    %get3A_6 = arith.constant 0 : index
    %get3A_7 = vector.load %arg1[%get3A_4, %get3A_5, %get3A_6] : memref<2x512x64xf32, #tpu.memory_space<vmem>>, vector<1x512x64xf32>
    %get3A_8 = vector.shape_cast %get3A_7 : vector<1x512x64xf32> to vector<512x64xf32>
    %concatenate3A = tpu.concatenate %get3A_3, %get3A_8 in 1 : vector<512x64xf32>, vector<512x64xf32> -> vector<512x128xf32>
    %get3A_9 = arith.constant 0 : index
    %get3A_10 = arith.constant 0 : index
    %get3A_11 = vector.load %arg2[%get3A_9, %get3A_10] : memref<128x128xf32, #tpu.memory_space<vmem>>, vector<128x128xf32>
    %dot_general3A = arith.constant dense<0.000000e+00> : vector<512x128xf32>
    %dot_general3A_12 = tpu.matmul %concatenate3A, %get3A_11, %dot_general3A {dimension_numbers = #tpu.dot_dimension_numbers<[1], [0], [0], [1], [0, 0, 1, 1], [], []>, transpose_lhs_hint = false} : vector<512x128xf32>, vector<128x128xf32>, vector<512x128xf32> -> vector<512x128xf32>
    %get3A_13 = arith.constant 0 : index
    %get3A_14 = arith.constant 0 : index
    %get3A_15 = vector.load %arg3[%get3A_13, %get3A_14] : memref<1x128xf32, #tpu.memory_space<vmem>>, vector<1x128xf32>
    %add3A = vector.broadcast %get3A_15 : vector<1x128xf32> to vector<512x128xf32>
    %add3A_16 = arith.addf %dot_general3A_12, %add3A : vector<512x128xf32>
    %swap3A = arith.constant 0 : index
    %swap3A_17 = arith.constant 0 : index
    %swap3A_18 = vector.load %arg4[%swap3A, %swap3A_17] : memref<512x128xf32, #tpu.memory_space<vmem>>, vector<512x128xf32>
    tpu.vector_store %arg4[%swap3A, %swap3A_17], %add3A_16 {strides = array<i32>} : memref<512x128xf32, #tpu.memory_space<vmem>>, vector<512x128xf32>,
    return
  }
  func.func @transform_0(%arg0: i32) -> (i32, i32, i32) {
    %c0_i32 = arith.constant 0 : i32
    %c0_i32_0 = arith.constant 0 : i32
    %c0_i32_1 = arith.constant 0 : i32
    return %c0_i32, %arg0, %c0_i32_0 : i32, i32, i32
  }
  func.func @transform_1(%arg0: i32) -> (i32, i32) {
    %c0_i32 = arith.constant 0 : i32
    %c0_i32_0 = arith.constant 0 : i32
    %c0_i32_1 = arith.constant 0 : i32
    return %c0_i32, %c0_i32_0 : i32, i32
  }
  func.func @transform_2(%arg0: i32) -> (i32, i32) {
    %c0_i32 = arith.constant 0 : i32
    %c0_i32_0 = arith.constant 0 : i32
    %c0_i32_1 = arith.constant 0 : i32
    return %c0_i32, %c0_i32_0 : i32, i32
  }
  func.func @transform_3(%arg0: i32) -> (i32, i32) {
    %c0_i32 = arith.constant 0 : i32
    %c0_i32_0 = arith.constant 0 : i32
    return %arg0, %c0_i32 : i32, i32
  }
}

module attributes {stable_mosaic.version = 14 : i64} {
  func.func @_combine_body(%arg0: i32, %arg1: memref<2x512x64xf32, #tpu.memory_space<vmem>>, %arg2: memref<2x512x16xf32, #tpu.memory_space<vmem>>, %arg3: memref<128x128xf32, #tpu.memory_space<vmem>>, %arg4: memref<512x128xf32, #tpu.memory_space<vmem>>, %arg5: memref<2x512x64xf32, #tpu.memory_space<vmem>>) attributes {dimension_semantics = [#tpu.dimension_semantics<arbitrary>], iteration_bounds = array<i64: 20>, scalar_prefetch = 0 : i64, scratch_operands = 0 : i64, tpu.core_type = #tpu.core_type<tc>, window_params = [{transform_indices = @transform_0, window_bounds = array<i64: 2, 512, 64>}, {transform_indices = @transform_1, window_bounds = array<i64: 2, 512, 16>}, {pipeline_mode = #tpu.pipeline_mode<synchronous>, transform_indices = @transform_2, window_bounds = array<i64: 128, 128>}, {transform_indices = @transform_3, window_bounds = array<i64: 512, 128>}, {transform_indices = @transform_4, window_bounds = array<i64: 2, 512, 64>}]} {
    %get3A = arith.constant 0 : index
    %get3A_0 = arith.constant 0 : index
    %get3A_1 = arith.constant 0 : index
    %get3A_2 = vector.load %arg1[%get3A, %get3A_0, %get3A_1] : memref<2x512x64xf32, #tpu.memory_space<vmem>>, vector<1x512x64xf32>
    %get3A_3 = vector.shape_cast %get3A_2 : vector<1x512x64xf32> to vector<512x64xf32>
    %get3A_4 = arith.constant 1 : index
    %get3A_5 = arith.constant 0 : index
    %get3A_6 = arith.constant 0 : index
    %get3A_7 = vector.load %arg1[%get3A_4, %get3A_5, %get3A_6] : memref<2x512x64xf32, #tpu.memory_space<vmem>>, vector<1x512x64xf32>
    %get3A_8 = vector.shape_cast %get3A_7 : vector<1x512x64xf32> to vector<512x64xf32>
    %concatenate3A = tpu.concatenate %get3A_3, %get3A_8 in 1 : vector<512x64xf32>, vector<512x64xf32> -> vector<512x128xf32>
    %get3A_9 = arith.constant 0 : index
    %get3A_10 = arith.constant 0 : index
    %get3A_11 = arith.constant 0 : index
    %get3A_12 = vector.load %arg2[%get3A_9, %get3A_10, %get3A_11] : memref<2x512x16xf32, #tpu.memory_space<vmem>>, vector<1x512x1xf32>
    %get3A_13 = vector.shape_cast %get3A_12 : vector<1x512x1xf32> to vector<512x1xf32>
    %get3A_14 = arith.constant 1 : index
    %get3A_15 = arith.constant 0 : index
    %get3A_16 = arith.constant 0 : index
    %get3A_17 = vector.load %arg2[%get3A_14, %get3A_15, %get3A_16] : memref<2x512x16xf32, #tpu.memory_space<vmem>>, vector<1x512x1xf32>
    %get3A_18 = vector.shape_cast %get3A_17 : vector<1x512x1xf32> to vector<512x1xf32>
    %add3A = arith.addf %get3A_13, %get3A_18 : vector<512x1xf32>
    %max3A = arith.constant 1.000000e+00 : f32
    %max3A_19 = vector.broadcast %max3A : f32 to vector<512x1xf32>
    %max3A_20 = arith.maximumf %add3A, %max3A_19 : vector<512x1xf32>
    %div3A = vector.broadcast %max3A_20 : vector<512x1xf32> to vector<512x128xf32>
    %div3A_21 = arith.divf %concatenate3A, %div3A : vector<512x128xf32>
    %get3A_22 = arith.constant 0 : index
    %get3A_23 = arith.constant 0 : index
    %get3A_24 = vector.load %arg3[%get3A_22, %get3A_23] : memref<128x128xf32, #tpu.memory_space<vmem>>, vector<128x128xf32>
    %dot_general3A = arith.constant dense<0.000000e+00> : vector<512x128xf32>
    %dot_general3A_25 = tpu.matmul %div3A_21, %get3A_24, %dot_general3A {dimension_numbers = #tpu.dot_dimension_numbers<[1], [0], [0], [1], [0, 0, 1, 1], [], []>, transpose_lhs_hint = false} : vector<512x128xf32>, vector<128x128xf32>, vector<512x128xf32> -> vector<512x128xf32>
    %get3A_26 = arith.constant 0 : index
    %get3A_27 = arith.constant 0 : index
    %get3A_28 = vector.load %arg4[%get3A_26, %get3A_27] : memref<512x128xf32, #tpu.memory_space<vmem>>, vector<512x128xf32>
    %add3A_29 = arith.addf %dot_general3A_25, %get3A_28 : vector<512x128xf32>
    %max3A_30 = arith.constant 0.000000e+00 : f32
    %max3A_31 = vector.broadcast %max3A_30 : f32 to vector<512x128xf32>
    %max3A_32 = arith.maximumf %add3A_29, %max3A_31 : vector<512x128xf32>
    %slice3A = vector.extract_strided_slice %max3A_32 {offsets = [0, 0], sizes = [512, 64], strides = [1, 1]} : vector<512x128xf32> to vector<512x64xf32>
    %swap3A = arith.constant 0 : index
    %swap3A_33 = arith.constant 0 : index
    %swap3A_34 = arith.constant 0 : index
    %swap3A_35 = vector.load %arg5[%swap3A, %swap3A_33, %swap3A_34] : memref<2x512x64xf32, #tpu.memory_space<vmem>>, vector<1x512x64xf32>
    %swap3A_36 = vector.shape_cast %swap3A_35 : vector<1x512x64xf32> to vector<512x64xf32>
    %swap3A_37 = vector.shape_cast %slice3A : vector<512x64xf32> to vector<1x512x64xf32>
    tpu.vector_store %arg5[%swap3A, %swap3A_33, %swap3A_34], %swap3A_37 {strides = array<i32>} : memref<2x512x64xf32, #tpu.memory_space<vmem>>, vector<1x512x64xf32>,
    %slice3A_38 = vector.extract_strided_slice %max3A_32 {offsets = [0, 64], sizes = [512, 64], strides = [1, 1]} : vector<512x128xf32> to vector<512x64xf32>
    %swap3A_39 = arith.constant 1 : index
    %swap3A_40 = arith.constant 0 : index
    %swap3A_41 = arith.constant 0 : index
    %swap3A_42 = vector.load %arg5[%swap3A_39, %swap3A_40, %swap3A_41] : memref<2x512x64xf32, #tpu.memory_space<vmem>>, vector<1x512x64xf32>
    %swap3A_43 = vector.shape_cast %swap3A_42 : vector<1x512x64xf32> to vector<512x64xf32>
    %swap3A_44 = vector.shape_cast %slice3A_38 : vector<512x64xf32> to vector<1x512x64xf32>
    tpu.vector_store %arg5[%swap3A_39, %swap3A_40, %swap3A_41], %swap3A_44 {strides = array<i32>} : memref<2x512x64xf32, #tpu.memory_space<vmem>>, vector<1x512x64xf32>,
    return
  }
  func.func @transform_0(%arg0: i32) -> (i32, i32, i32) {
    %c0_i32 = arith.constant 0 : i32
    %c0_i32_0 = arith.constant 0 : i32
    %c0_i32_1 = arith.constant 0 : i32
    return %c0_i32, %arg0, %c0_i32_0 : i32, i32, i32
  }
  func.func @transform_1(%arg0: i32) -> (i32, i32, i32) {
    %c0_i32 = arith.constant 0 : i32
    %c0_i32_0 = arith.constant 0 : i32
    %c0_i32_1 = arith.constant 0 : i32
    return %c0_i32, %arg0, %c0_i32_0 : i32, i32, i32
  }
  func.func @transform_2(%arg0: i32) -> (i32, i32) {
    %c0_i32 = arith.constant 0 : i32
    %c0_i32_0 = arith.constant 0 : i32
    %c0_i32_1 = arith.constant 0 : i32
    return %c0_i32, %c0_i32_0 : i32, i32
  }
  func.func @transform_3(%arg0: i32) -> (i32, i32) {
    %c0_i32 = arith.constant 0 : i32
    %c0_i32_0 = arith.constant 0 : i32
    return %arg0, %c0_i32 : i32, i32
  }
  func.func @transform_4(%arg0: i32) -> (i32, i32, i32) {
    %c0_i32 = arith.constant 0 : i32
    %c0_i32_0 = arith.constant 0 : i32
    %c0_i32_1 = arith.constant 0 : i32
    return %c0_i32, %arg0, %c0_i32_0 : i32, i32, i32
  }
}

module attributes {stable_mosaic.version = 14 : i64} {
  func.func @_combine_body(%arg0: i32, %arg1: memref<2x512x64xf32, #tpu.memory_space<vmem>>, %arg2: memref<2x512x16xf32, #tpu.memory_space<vmem>>, %arg3: memref<128x128xf32, #tpu.memory_space<vmem>>, %arg4: memref<512x128xf32, #tpu.memory_space<vmem>>, %arg5: memref<512x128xf32, #tpu.memory_space<vmem>>) attributes {dimension_semantics = [#tpu.dimension_semantics<arbitrary>], iteration_bounds = array<i64: 20>, scalar_prefetch = 0 : i64, scratch_operands = 0 : i64, tpu.core_type = #tpu.core_type<tc>, window_params = [{transform_indices = @transform_0, window_bounds = array<i64: 2, 512, 64>}, {transform_indices = @transform_1, window_bounds = array<i64: 2, 512, 16>}, {pipeline_mode = #tpu.pipeline_mode<synchronous>, transform_indices = @transform_2, window_bounds = array<i64: 128, 128>}, {transform_indices = @transform_3, window_bounds = array<i64: 512, 128>}, {transform_indices = @transform_4, window_bounds = array<i64: 512, 128>}]} {
    %get3A = arith.constant 0 : index
    %get3A_0 = arith.constant 0 : index
    %get3A_1 = arith.constant 0 : index
    %get3A_2 = vector.load %arg1[%get3A, %get3A_0, %get3A_1] : memref<2x512x64xf32, #tpu.memory_space<vmem>>, vector<1x512x64xf32>
    %get3A_3 = vector.shape_cast %get3A_2 : vector<1x512x64xf32> to vector<512x64xf32>
    %get3A_4 = arith.constant 1 : index
    %get3A_5 = arith.constant 0 : index
    %get3A_6 = arith.constant 0 : index
    %get3A_7 = vector.load %arg1[%get3A_4, %get3A_5, %get3A_6] : memref<2x512x64xf32, #tpu.memory_space<vmem>>, vector<1x512x64xf32>
    %get3A_8 = vector.shape_cast %get3A_7 : vector<1x512x64xf32> to vector<512x64xf32>
    %concatenate3A = tpu.concatenate %get3A_3, %get3A_8 in 1 : vector<512x64xf32>, vector<512x64xf32> -> vector<512x128xf32>
    %get3A_9 = arith.constant 0 : index
    %get3A_10 = arith.constant 0 : index
    %get3A_11 = arith.constant 0 : index
    %get3A_12 = vector.load %arg2[%get3A_9, %get3A_10, %get3A_11] : memref<2x512x16xf32, #tpu.memory_space<vmem>>, vector<1x512x1xf32>
    %get3A_13 = vector.shape_cast %get3A_12 : vector<1x512x1xf32> to vector<512x1xf32>
    %get3A_14 = arith.constant 1 : index
    %get3A_15 = arith.constant 0 : index
    %get3A_16 = arith.constant 0 : index
    %get3A_17 = vector.load %arg2[%get3A_14, %get3A_15, %get3A_16] : memref<2x512x16xf32, #tpu.memory_space<vmem>>, vector<1x512x1xf32>
    %get3A_18 = vector.shape_cast %get3A_17 : vector<1x512x1xf32> to vector<512x1xf32>
    %add3A = arith.addf %get3A_13, %get3A_18 : vector<512x1xf32>
    %max3A = arith.constant 1.000000e+00 : f32
    %max3A_19 = vector.broadcast %max3A : f32 to vector<512x1xf32>
    %max3A_20 = arith.maximumf %add3A, %max3A_19 : vector<512x1xf32>
    %div3A = vector.broadcast %max3A_20 : vector<512x1xf32> to vector<512x128xf32>
    %div3A_21 = arith.divf %concatenate3A, %div3A : vector<512x128xf32>
    %get3A_22 = arith.constant 0 : index
    %get3A_23 = arith.constant 0 : index
    %get3A_24 = vector.load %arg3[%get3A_22, %get3A_23] : memref<128x128xf32, #tpu.memory_space<vmem>>, vector<128x128xf32>
    %dot_general3A = arith.constant dense<0.000000e+00> : vector<512x128xf32>
    %dot_general3A_25 = tpu.matmul %div3A_21, %get3A_24, %dot_general3A {dimension_numbers = #tpu.dot_dimension_numbers<[1], [0], [0], [1], [0, 0, 1, 1], [], []>, transpose_lhs_hint = false} : vector<512x128xf32>, vector<128x128xf32>, vector<512x128xf32> -> vector<512x128xf32>
    %get3A_26 = arith.constant 0 : index
    %get3A_27 = arith.constant 0 : index
    %get3A_28 = vector.load %arg4[%get3A_26, %get3A_27] : memref<512x128xf32, #tpu.memory_space<vmem>>, vector<512x128xf32>
    %add3A_29 = arith.addf %dot_general3A_25, %get3A_28 : vector<512x128xf32>
    %swap3A = arith.constant 0 : index
    %swap3A_30 = arith.constant 0 : index
    %swap3A_31 = vector.load %arg5[%swap3A, %swap3A_30] : memref<512x128xf32, #tpu.memory_space<vmem>>, vector<512x128xf32>
    tpu.vector_store %arg5[%swap3A, %swap3A_30], %add3A_29 {strides = array<i32>} : memref<512x128xf32, #tpu.memory_space<vmem>>, vector<512x128xf32>,
    return
  }
  func.func @transform_0(%arg0: i32) -> (i32, i32, i32) {
    %c0_i32 = arith.constant 0 : i32
    %c0_i32_0 = arith.constant 0 : i32
    %c0_i32_1 = arith.constant 0 : i32
    return %c0_i32, %arg0, %c0_i32_0 : i32, i32, i32
  }
  func.func @transform_1(%arg0: i32) -> (i32, i32, i32) {
    %c0_i32 = arith.constant 0 : i32
    %c0_i32_0 = arith.constant 0 : i32
    %c0_i32_1 = arith.constant 0 : i32
    return %c0_i32, %arg0, %c0_i32_0 : i32, i32, i32
  }
  func.func @transform_2(%arg0: i32) -> (i32, i32) {
    %c0_i32 = arith.constant 0 : i32
    %c0_i32_0 = arith.constant 0 : i32
    %c0_i32_1 = arith.constant 0 : i32
    return %c0_i32, %c0_i32_0 : i32, i32
  }
  func.func @transform_3(%arg0: i32) -> (i32, i32) {
    %c0_i32 = arith.constant 0 : i32
    %c0_i32_0 = arith.constant 0 : i32
    return %arg0, %c0_i32 : i32, i32
  }
  func.func @transform_4(%arg0: i32) -> (i32, i32) {
    %c0_i32 = arith.constant 0 : i32
    %c0_i32_0 = arith.constant 0 : i32
    return %arg0, %c0_i32 : i32, i32
  }
}

</mosaic_0001>

<sc_bundles>
// kernel: kernel.11.cloned.1.call-start
scs
__scs_entry_jumppad:
0x0: {  	(pc) =	sbr.rel $0x88, $3  }
0x1: {  	(tag) =	ssettag $0x0;
	lr =	simm.s32 $0x1  }
0x2: {  	[smem:$0x3F99] =	sst lr;
	_ =	strace $0xD0000000  }
0x3: {  	_ = 	snop  }
0x4: {  	_ = 	snop  }
0x5: {  	_ = 	snop  }
0x6: {  	_ = 	snop  }
0x7: {  	_ = 	snop  }
__scs_overlays_trampoline_lowered:
0x8: {  	[smem:$0x3FA8] =	sst s0  }
0x9: {  	[smem:$0x3FA9] =	sst s1  }
0xa: {  	[smem:$0x3FAA] =	sst s2  }
0xb: {  	[smem:$0x3FAB] =	sst s3  }
0xc: {  	[smem:$0x3FAC] =	sst s4  }
0xd: {  	[smem:$0x3FAD] =	sst s5  }
0xe: {  	[smem:$0x3FAE] =	sst s6  }
0xf: {  	[smem:$0x3FAF] =	sst s7  }
0x10: {  	[smem:$0x3FB0] =	sst s8  }
0x11: {  	[smem:$0x3FB1] =	sst s9;
	s0 =	simm.s32 @!p0 $0x0  }
0x12: {  	s1 =	sld [smem:$0x3F97];
	s0 =	simm.s32 @p0 $0x1  }
0x13: {  	[smem:$0x3FB2] =	sst s0;
	s0 =	simm.s32 @!p1 $0x0  }
0x14: {  	s2 =	sld [smem:$0x3F96];
	s0 =	simm.s32 @p1 $0x1  }
0x15: {  	[smem:$0x3FB3] =	sst s0;
	s0 =	simm.s32 @!p2 $0x0  }
0x16: {  	s3 =	sld [smem:$0x3FDB];
	s0 =	simm.s32 @p2 $0x1  }
0x17: {  	s4 =	simm.s32 $0x1BF5;
	[smem:$0x3FB5] =	sst s0  }
0x18: {  	s0 =	sld [smem:$0x3F98];
	_ =	swait.ge [sflag:s4], $0x0  }
0x19: {  	s7 =	sld [smem:$0x3F99]  }
0x1a: {  	s8 =	sadd.s32 $0xFFFFE003, lr  }
0x1b: {  	s9 =	sadd.s32 $0xFFFFFEF7, lr;
	s5 =	simm.s32 $0xFFFFFFFF;
	p2 =	slt.u32 s8, $0xFFFFF086  }
0x1c: {  	p1 =	slt.u32 s9, $0xF7A;
	s5 =	simm.s32 @!p2 $0x0  }
0x1d: {  	s5 =	simm.s32 @p1 $0x1;
	p0 =	seq.s32 s7, s2  }
0x1e: {  	s7 =	smul.u32 @!p0 $0xF7A, s2;
	p2 =	seq.s32 @!p0 s5, $0x0  }
0x1f: {  	s9 =	smul.u32 $0xF7A, s1;
	s8 =	simm.s32 @!p0 $0x1BF5;
	p2 =	por !p2, p0  }
0x20: {  	[sflag:s8] =	ssyncset.s32 @!p0 $0xFFFFF086;
	s6 =	sadd.s32 @!p0 s3, s7;
	s7 =	simm.s32 @!p0 $0x108  }
0x21: {  	s3 =	sadd.s32 s3, s9;
	s6 =	sadd.s32 @!p0 $0x88, s6;
	s7 =	simm.s32 @p2 $0x1082  }
0x22: {  	[simem:s7], [sflag:s8] =	dma.local @!p0 [hbm:s6], $0xF7A  }
0x23: {  	s9 =	sor.u32 $0xD0000000, s2;
	s6 =	simm.s32 $0x108;
	_ =	swait.ge @!p0 [sflag:s8], $0x0  }
0x24: {  	s3 =	sadd.s32 $0x88, s3;
	s6 =	simm.s32 @!p1 $0x1082;
	[sflag:s4] =	ssyncset.s32 $0xFFFFF086  }
0x25: {  	[simem:s6], [sflag:s4] =	dma.local [hbm:s3], $0xF7A  }
0x26: {  	[smem:$0x3F99] =	sst s1;
	(tag) =	ssettag s2;
	_ =	strace s9  }
0x27: {  	s1 =	sld [smem:$0x3FA9]  }
0x28: {  	s2 =	sld [smem:$0x3FAA]  }
0x29: {  	s4 =	sld [smem:$0x3FAC]  }
0x2a: {  	p0 =	seq.s32 s5, $0x0;
	s5 =	sld [smem:$0x3FAD]  }
0x2b: {  	s6 =	sld [smem:$0x3FAE]  }
0x2c: {  	s7 =	sld [smem:$0x3FAF]  }
0x2d: {  	s3 =	simm.s32 $0x108;
	s8 =	sld [smem:$0x3FB0]  }
0x2e: {  	s3 =	simm.s32 @!p0 $0x1082;
	s9 =	sld [smem:$0x3FB1]  }
0x2f: {  	lr =	sadd.s32 s0, s3;
	s0 =	sld [smem:$0x3FA8]  }
0x30: {  	s3 =	sld [smem:$0x3FAB]  }
0x31: {  	[smem:$0x3FB4] =	sst s10  }
0x32: {  	s10 =	sld [smem:$0x3FB2];
	_ =	sdelay $0x3  }
0x33: {  	p0 =	seq.s32 s10, $0x1;
	s10 =	sld [smem:$0x3FB4];
	_ =	sdelay $0x3  }
0x34: {  	[smem:$0x3FB4] =	sst s10  }
0x35: {  	s10 =	sld [smem:$0x3FB3];
	_ =	sdelay $0x3  }
0x36: {  	p1 =	seq.s32 s10, $0x1;
	s10 =	sld [smem:$0x3FB4];
	_ =	sdelay $0x3  }
0x37: {  	[smem:$0x3FB4] =	sst s10  }
0x38: {  	s10 =	sld [smem:$0x3FB5]  }
0x39: {  	_ = 	snop;
	(pc) =	sbr.ind lr, $3  }
0x3a: {  	_ = 	snop  }
0x3b: {  	_ = 	snop  }
0x3c: {  	p2 =	seq.s32 s10, $0x1;
	s10 =	sld [smem:$0x3FB4]  }
0x3d: {  	_ =	shalt  }
0x3e: {  	_ =	shalt  }
0x3f: {  	_ =	shalt  }
0x40: {  	_ =	shalt  }
0x41: {  	_ =	shalt  }
0x42: {  	_ =	shalt  }
0x43: {  	_ =	shalt  }
0x44: {  	_ =	shalt  }
0x45: {  	_ =	shalt  }
0x46: {  	_ =	shalt  }
0x47: {  	_ =	shalt  }
0x48: {  	_ =	shalt  }
0x49: {  	_ =	shalt  }
0x4a: {  	_ =	shalt  }
0x4b: {  	_ =	shalt  }
0x4c: {  	_ =	shalt  }
0x4d: {  	_ =	shalt  }
0x4e: {  	_ =	shalt  }
0x4f: {  	_ =	shalt  }
0x50: {  	_ =	shalt  }
0x51: {  	_ =	shalt  }
0x52: {  	_ =	shalt  }
0x53: {  	_ =	shalt  }
0x54: {  	_ =	shalt  }
0x55: {  	_ =	shalt  }
0x56: {  	_ =	shalt  }
0x57: {  	_ =	shalt  }
0x58: {  	_ =	shalt  }
0x59: {  	_ =	shalt  }
0x5a: {  	_ =	shalt  }
0x5b: {  	_ =	shalt  }
0x5c: {  	_ =	shalt  }
0x5d: {  	_ =	shalt  }
0x5e: {  	_ =	shalt  }
0x5f: {  	_ =	shalt  }
0x60: {  	_ =	shalt  }
0x61: {  	_ =	shalt  }
0x62: {  	_ =	shalt  }
0x63: {  	_ =	shalt  }
0x64: {  	_ =	shalt  }
0x65: {  	_ =	shalt  }
0x66: {  	_ =	shalt  }
0x67: {  	_ =	shalt  }
0x68: {  	_ =	shalt  }
0x69: {  	_ =	shalt  }
0x6a: {  	_ =	shalt  }
0x6b: {  	_ =	shalt  }
0x6c: {  	_ =	shalt  }
0x6d: {  	_ =	shalt  }
0x6e: {  	_ =	shalt  }
0x6f: {  	_ =	shalt  }
0x70: {  	_ =	shalt  }
0x71: {  	_ =	shalt  }
0x72: {  	_ =	shalt  }
0x73: {  	_ =	shalt  }
0x74: {  	_ =	shalt  }
0x75: {  	_ =	shalt  }
0x76: {  	_ =	shalt  }
0x77: {  	_ =	shalt  }
0x78: {  	_ =	shalt  }
0x79: {  	_ =	shalt  }
0x7a: {  	_ =	shalt  }
0x7b: {  	_ =	shalt  }
0x7c: {  	_ =	shalt  }
0x7d: {  	_ =	shalt  }
0x7e: {  	_ =	shalt  }
0x7f: {  	_ =	shalt  }
0x80: {  	_ =	shalt  }
0x81: {  	_ =	shalt  }
0x82: {  	_ =	shalt  }
0x83: {  	_ =	shalt  }
0x84: {  	_ =	shalt  }
0x85: {  	_ =	shalt  }
0x86: {  	_ =	shalt  }
0x87: {  	_ =	shalt  }
.Lfunc_end0:
.L_simem_size_0:
called_computation.1_lowered:
.L_overlay_start_0:
0x88: {  	s2 =	sld [smem:$0x3FD9]  }
0x89: {  	s3 =	sld [smem:$0x3FFE];
	_ =	sdelay $0x1  }
0x8a: {  	s1 =	srdreg.scid  }
0x8b: {  	s0 =	sand.u32 $0x1, s1  }
0x8c: {  	s17 =	sshll.u32 s0, $0xA;
	s2 =	sadd.s32 s3, s2  }
0x8d: {  	s2 =	sadd.s32 s2, s17  }
0x8e: {  	[smem:$0x3FC0] =	sst s2  }
0x8f: {  	_ = 	snop  }
0x90: {  	s2 =	sld [smem:$0x3FD0];
	(tm) =	ssettm $0x1  }
0x91: {  	s18 =	sld [smem:$0x3FFB];
	_ =	sdelay $0x3  }
0x92: {  	_ =	strace s18  }
0x93: {  	s3 =	sld [smem:$0x3FFC];
	_ =	sdelay $0x3  }
0x94: {  	_ =	strace s3  }
0x95: {  	s3 =	sld [smem:$0x3FFD];
	_ =	sdelay $0x3  }
0x96: {  	_ =	strace s3  }
0x97: {  	_ =	strace $0x8FFFFFFF  }
0x98: {  	s19 =	sld [smem:$0x3FDB];
	_ =	sdelay $0x1  }
0x99: {  	s4 =	simm.s32 $_scs_section_size  }
0x9a: {  	s5 =	simm.s32 $_size__tile_overlayer_lowered;
	s6 =	simm.s32 $_tile_overlayer_lowered  }
0x9b: {  	s22 =	simm.s32 $0x1BFF;
	s21 =	sshll.u32 s6, $0x1;
	s3 =	sadd.s32 s4, s19  }
0x9c: {  	s7 =	simm.s32 $0x0;
	s20 =	sshll.u32 s5, $0x1;
	s5 =	sadd.s32 s21, s3  }
0x9d: {  	[timem:s7], [sflag:s22] =	dma.local [hbm:s5], s20  }
0x9e: {  	_ =	swait.ge [sflag:s22], s20  }
0x9f: {  	s4 =	ssub.s32 $0x0, s20;
	[sflag:s22] =	ssyncset.done $0x0  }
0xa0: {  	[sflag:s22] =	ssyncadd.s32 s4;
	_ =	sdelay $0x1  }
0xa1: {  	s23 =	simm.s32 $0x1B8B  }
0xa2: {  	_ =	swait.ge [sflag:s23], $0x1  }
0xa3: {  	[sflag:s23] =	ssyncset.done $0x0  }
0xa4: {  	s25 =	simm.s32 $0x1B8E;
	s24 =	sld [smem:$0x3FFE];
	[sflag:s23] =	ssyncadd.s32 $0xFFFFFFFF  }
0xa5: {  	s26 =	simm.s32 $execute0_lowered;
	[smem:$0x3FD2] =	sst s25  }
0xa6: {  	s5 =	sshll.u32 s26, $0x1;
	_ =	strace $0x80000049;
	[dreg:$0x1] =	wrdreg $0xFFFFFFFF  }
0xa7: {  	s28 =	simm.s32 $_size_execute0_lowered;
	s3 =	sadd.s32 s3, s5;
	[dreg:$0x0] =	wrdreg $0x0  }
0xa8: {  	s5 =	sshll.u32 s28, $0x1;
	[dreg:$0x2] =	wrdreg s3  }
0xa9: {  	[dreg:$0x3] =	wrdreg s5  }
0xaa: {  	[dreg:$0x4] =	wrdreg $0xC0  }
0xab: {  	_ =	task [dreg:s7], $0x5FFFF  }
0xac: {  	[dreg:$0x1] =	wrdreg $0xFFFFFFFF  }
0xad: {  	[dreg:$0x0] =	wrdreg $0x60  }
0xae: {  	[dreg:$0x2] =	wrdreg s24  }
0xaf: {  	[dreg:$0x3] =	wrdreg s2  }
0xb0: {  	[dreg:$0x4] =	wrdreg $0xDE000  }
0xb1: {  	[dreg:$0x5] =	wrdreg $0x9  }
0xb2: {  	_ =	task.clear_ibuf [dreg:s7], $0x6FFFF;
	_ =	strace $0x90000049  }
0xb3: {  	s29 =	simm.s32 $0x9;
	_ =	strace $0x8000004B  }
0xb4: {  	_ =	swait.ge [sflag:s29], $0x1  }
0xb5: {  	[sflag:s29] =	ssyncadd.s32 $0xFFFFFFFF  }
0xb6: {  	_ =	strace $0x9000004B  }
0xb7: {  	_ =	sfence  }
0xb8: {  	s30 =	sld [smem:$0x0];
	_ =	sdelay $0x2  }
0xb9: {  	s31 =	sshll.u32 s1, $0xD;
	s1 =	sshrl.u32 s1, $0x2  }
0xba: {  	s3 =	sand.u32 $0x4000, s31;
	s1 =	sadd.s32 s1, s30  }
0xbb: {  	s0 =	sor.u32 s3, s0;
	s1 =	sshll.u32 s1, $0x11  }
0xbc: {  	s0 =	sor.u32 s1, s0  }
0xbd: {  	s0 =	sadd.s32 $0x8F2B, s0  }
0xbe: {  	[sflag:s0] =	ssyncadd.remote.s32 $0x1  }
0xbf: {  	_ =	sfence.sel $0xFFFF  }
0xc0: {  	[dreg:$0x0] =	wrdreg $0xFFFFFFFF;
	(pc) =	sbr.abs _section_cstart, $3  }
0xc1: {  	[dreg:$0x1] =	wrdreg $0xFFFFFFFF  }
0xc2: {  	_ =	task.clear_ibuf [dreg:s7], $0x2FFFF;
	_ =	strace $0x9FFFFFFF  }
0xc3: {  	(tm) =	ssettm $0x7FFFFFFF  }
tec
execute0_lowered:
.L_overlay_start_1:
0x0: {  	(tag) =	ssettag $0x1  }
0x1: {  	s0 =	rddreg [dreg:$0x0]  }
0x2: {  	s1 =	rddreg [dreg:$0x1]  }
0x3: {  	s2 =	rddreg [dreg:$0x2];
	s3 =	simm.s32 $0x0;
	s11 =	stileid.u32  }
0x4: {  	s4 =	srdreg.scid;
	s28 =	simm.s32 $0x2;
	s5 =	smul.u32 $0x4F00, s11  }
0x5: {  	s29 =	simm.s32 $0x80;
	s30 =	simm.s32 $0xBE00;
	s9 =	smul.u32 $0x28000, s11  }
0x6: {  	[smem:$0x7FF] =	sst s3;
	s6 =	sand.u32 $0x1, s4;
	s15 =	smul.u32 $0xA000, s11  }
0x7: {  	s4 =	sadd.s32 $0x1C00, s0;
	_ =	strace $0x8000004A;
	s7 =	smul.u32 $0x4F000, s6  }
0x8: {  	s10 =	ssub.s32 $0x2, s6;
	s16 =	smul.u32 $0xA0000, s6;
	s8 =	sshrl.u32 s5, $0x3  }
0x9: {  	s19 =	sshrl.u32 s10, $0x1;
	s20 =	sshrl.u32 s9, $0x2;
	s23 =	sadd.s32 $0x2000, s15  }
0xa: {  	s18 =	sadd.s32 s15, s2;
	s17 =	sadd.s32 $0x4000, s15;
	s8 =	sadd.s32 s8, s0  }
0xb: {  	s5 =	sadd.s32 s5, s7;
	s0 =	sadd.s32 $0x33A00, s0;
	s10 =	ssub.s32 s10, s19  }
0xc: {  	s21 =	sadd.s32 s16, s15;
	s7 =	sadd.s32 s20, s2;
	s14 =	sadd.s32 s16, s23  }
0xd: {  	s19 =	sadd.s32 s16, s17;
	s20 =	sadd.s32 $0x6000, s15;
	s5 =	sshrl.u32 s5, $0x3  }
0xe: {  	s6 =	sadd.s32 $0x29C00, s8;
	s22 =	sshrl.u32 s21, $0x3;
	s9 =	smax.u32 s10, $0x1  }
0xf: {  	s10 =	sadd.s32 $0x2000, s7;
	s11 =	sadd.s32 $0x4000, s7;
	s12 =	sadd.s32 $0x6000, s7  }
0x10: {  	s13 =	sadd.s32 $0x8000, s7;
	s14 =	sshrl.u32 s14, $0x3;
	s19 =	sshrl.u32 s19, $0x3  }
0x11: {  	s21 =	sadd.s32 s16, s20;
	s1 =	sadd.s32 s1, s5;
	s8 =	sadd.s32 s0, s22  }
0x12: {  	s14 =	sadd.s32 s0, s14;
	s22 =	sadd.s32 $0x8000, s15;
	s15 =	sadd.s32 s0, s19  }
0x13: {  	s24 =	sshrl.u32 s21, $0x3;
	s19 =	simm.s32 $0x9E00;
	s21 =	sshrl.u32 s18, $0x3  }
0x14: {  	[dreg:$0x4] =	wrdreg s1;
	s1 =	sadd.s32 s23, s2;
	s25 =	sadd.s32 s16, s22  }
0x15: {  	s23 =	sadd.s32 s17, s2;
	s16 =	sadd.s32 s0, s24;
	s24 =	sadd.s32 s20, s2  }
0x16: {  	s31 =	sadd.s32 s22, s2;
	s20 =	simm.s32 $0x3;
	s26 =	sshrl.u32 s25, $0x3  }
0x17: {  	s22 =	sshrl.u32 s1, $0x3;
	s23 =	sshrl.u32 s23, $0x3;
	s24 =	sshrl.u32 s24, $0x3  }
0x18: {  	v0 =	vimm.f32 $0.0e+00;
	s25 =	sshrl.u32 s31, $0x3;
	s17 =	sadd.s32 s0, s26;
	s26 =	simm.s32 $0x1  }
.LBB2_1:
0x19: {  	s31 =	simm.s32 $0x100;
	s18 =	simm.s32 $0x0  }
.LBB2_2:
0x1a: {  	p0 =	sne.s32 s31, $0x7F00;
	[tilespmem:s18+$0x9E30] =	vst v0;
	s0 =	smov.u32 s31;
	s31 =	sadd.s32 $0x100, s31  }
.Ltmp0:
0x1b: {  	[tilespmem:s18+$0x9E20] =	vst v0;
	(pc) =	sbr.rel @p0 .LBB2_2-.Ltmp0, $3  }
0x1c: {  	[tilespmem:s18+$0x9E00] =	vst v0  }
0x1d: {  	[tilespmem:s18+$0x9E10] =	vst v0;
	_ =	sdelay $0x1  }
0x1e: {  	s18 =	sshra.s32 s0, $0x2  }
0x1f: {  	[tilespmem:s18+$0x9E30] =	vst v0  }
0x20: {  	[tilespmem:s18+$0x9E20] =	vst v0  }
0x21: {  	[tilespmem:s18+$0x9E00] =	vst v0  }
0x22: {  	[tilespmem:s18+$0x9E10] =	vst v0;
	s0 =	simm.s32 $0x0;
	s1 =	rddreg [dreg:$0x4]  }
0x23: {  	[tilespmem:s0], [sflag:$0x1] =	stream.linear.gather [hbm4b:s1+s0], $0x4F00, $0x38;
	[tilespmem:$0x17E00] =	vst v63  }
0x24: {  	s5 =	simm.s32 $0x4F00  }
0x25: {  	[tilespmem:s5], [sflag:$0x2] =	stream.linear.gather [hbm4b:s6+s0], $0x4F00, $0x38;
	[tilespmem:$0x17E00] =	vst v63  }
0x26: {  	_ = 	snop  }
0x27: {  	[spmem:s7] =	stream.linear.scatter [tilespmem:s19], [sflag:$0x3], $0x2000, $0x38;
	[tilespmem:$0x17E00] =	vst v63  }
0x28: {  	_ =	swait.ge [sflag:s20], $0x2000  }
0x29: {  	[sflag:s20] =	ssyncset.done $0x0  }
0x2a: {  	[sflag:s20] =	ssyncadd.s32 $0xFFFFE000  }
0x2b: {  	[spmem:s10] =	stream.linear.scatter [tilespmem:s19], [sflag:$0x3], $0x2000, $0x38;
	[tilespmem:$0x17E00] =	vst v63  }
0x2c: {  	_ =	swait.ge [sflag:s20], $0x2000  }
0x2d: {  	[sflag:s20] =	ssyncset.done $0x0  }
0x2e: {  	[sflag:s20] =	ssyncadd.s32 $0xFFFFE000  }
0x2f: {  	[spmem:s11] =	stream.linear.scatter [tilespmem:s19], [sflag:$0x3], $0x2000, $0x38;
	[tilespmem:$0x17E00] =	vst v63  }
0x30: {  	_ =	swait.ge [sflag:s20], $0x2000  }
0x31: {  	[sflag:s20] =	ssyncset.done $0x0  }
0x32: {  	[sflag:s20] =	ssyncadd.s32 $0xFFFFE000  }
0x33: {  	[spmem:s12] =	stream.linear.scatter [tilespmem:s19], [sflag:$0x3], $0x2000, $0x38;
	[tilespmem:$0x17E00] =	vst v63  }
0x34: {  	_ =	swait.ge [sflag:s20], $0x2000  }
0x35: {  	[sflag:s20] =	ssyncset.done $0x0  }
0x36: {  	[sflag:s20] =	ssyncadd.s32 $0xFFFFE000  }
0x37: {  	[spmem:s13] =	stream.linear.scatter [tilespmem:s19], [sflag:$0x3], $0x2000, $0x38;
	[tilespmem:$0x17E00] =	vst v63  }
0x38: {  	_ =	swait.ge [sflag:s20], $0x2000  }
0x39: {  	[sflag:s20] =	ssyncset.done $0x0  }
0x3a: {  	[sflag:s20] =	ssyncadd.s32 $0xFFFFE000  }
0x3b: {  	_ =	swait.ge [sflag:s26], $0x4F00  }
0x3c: {  	[sflag:s26] =	ssyncset.done $0x0  }
0x3d: {  	[sflag:s26] =	ssyncadd.s32 $0xFFFFB100  }
0x3e: {  	_ =	swait.ge [sflag:s28], $0x4F00  }
0x3f: {  	[sflag:s28] =	ssyncset.done $0x0  }
0x40: {  	[sflag:s28] =	ssyncadd.s32 $0xFFFFB100  }
0x41: {  	[bflag:$0x0] =	sbarrier.arrive $0xFFFF  }
0x42: {  	[tilespmem:s19], [sflag:$0x1] =	stream.indirect.gather [hbm4b:s4+s29], $0x40, s0, s29, $0xb8;
	[tilespmem:$0x17E00] =	vst v63  }
0x43: {  	s18 =	simm.s32 $0x80  }
0x44: {  	[tilespmem:s30], [sflag:$0x2] =	stream.indirect.gather [hbm4b:s4+s29], $0x40, s18, s29, $0xb8;
	[tilespmem:$0x17E00] =	vst v63  }
0x45: {  	_ =	swait.ge [sflag:s26], $0x2000  }
0x46: {  	[sflag:s26] =	ssyncset.done $0x0  }
0x47: {  	s1 =	simm.s32 $0x4F00;
	[sflag:s26] =	ssyncadd.s32 $0xFFFFE000  }
0x48: {  	[spmem:s2] =	stream.indirect.scatter.add.f32 [tilespmem:s19], [sflag:$0x3], $0x40, s1, s29, $0xb8;
	[tilespmem:$0x17E00] =	vst v63  }
0x49: {  	_ =	swait.ge [sflag:s20], $0x2000  }
0x4a: {  	[sflag:s20] =	ssyncset.done $0x0  }
0x4b: {  	s5 =	simm.s32 $0x100;
	[sflag:s20] =	ssyncadd.s32 $0xFFFFE000  }
0x4c: {  	[tilespmem:s19], [sflag:$0x1] =	stream.indirect.gather [hbm4b:s4+s29], $0x40, s5, s29, $0xb8;
	[tilespmem:$0x17E00] =	vst v63  }
0x4d: {  	_ =	swait.ge [sflag:s28], $0x2000  }
0x4e: {  	[sflag:s28] =	ssyncset.done $0x0  }
0x4f: {  	s18 =	simm.s32 $0x4F80;
	[sflag:s28] =	ssyncadd.s32 $0xFFFFE000  }
0x50: {  	[spmem:s2] =	stream.indirect.scatter.add.f32 [tilespmem:s30], [sflag:$0x3], $0x40, s18, s29, $0xb8;
	[tilespmem:$0x17E00] =	vst v63  }
0x51: {  	_ =	swait.ge [sflag:s20], $0x2000  }
0x52: {  	s31 =	simm.s32 $0x800;
	s18 =	simm.s32 $0x100;
	[sflag:s20] =	ssyncset.done $0x0  }
.LBB2_4:
0x53: {  	s0 =	sadd.s32 $0x80, s18  }
0x54: {  	[sflag:s20] =	ssyncadd.s32 $0xFFFFE000;
	s1 =	smov.u32 s31;
	s5 =	sadd.s32 $0x400, s31  }
0x55: {  	[tilespmem:s30], [sflag:$0x2] =	stream.indirect.gather [hbm4b:s4+s29], $0x40, s0, s29, $0xb8;
	[tilespmem:$0x17E00] =	vst v63  }
0x56: {  	p0 =	sne.s32 s31, $0x13400;
	_ =	swait.ge [sflag:s26], $0x2000  }
0x57: {  	[sflag:s26] =	ssyncset.done $0x0  }
0x58: {  	s0 =	sadd.s32 $0x4F00, s18;
	[sflag:s26] =	ssyncadd.s32 $0xFFFFE000  }
0x59: {  	[spmem:s2] =	stream.indirect.scatter.add.f32 [tilespmem:s19], [sflag:$0x3], $0x40, s0, s29, $0xb8;
	[tilespmem:$0x17E00] =	vst v63  }
0x5a: {  	_ =	swait.ge [sflag:s20], $0x2000  }
0x5b: {  	[sflag:s20] =	ssyncset.done $0x0  }
0x5c: {  	s0 =	sadd.s32 $0x100, s18;
	[sflag:s20] =	ssyncadd.s32 $0xFFFFE000  }
0x5d: {  	[tilespmem:s19], [sflag:$0x1] =	stream.indirect.gather [hbm4b:s4+s29], $0x40, s0, s29, $0xb8;
	[tilespmem:$0x17E00] =	vst v63  }
0x5e: {  	_ =	swait.ge [sflag:s28], $0x2000  }
.Ltmp1:
0x5f: {  	[sflag:s28] =	ssyncset.done $0x0;
	(pc) =	sbr.rel @p0 .LBB2_4-.Ltmp1, $4  }
0x60: {  	s0 =	sadd.s32 $0x4F80, s18;
	[sflag:s28] =	ssyncadd.s32 $0xFFFFE000  }
0x61: {  	[spmem:s2] =	stream.indirect.scatter.add.f32 [tilespmem:s30], [sflag:$0x3], $0x40, s0, s29, $0xb8;
	[tilespmem:$0x17E00] =	vst v63  }
0x62: {  	_ =	swait.ge [sflag:s20], $0x2000  }
0x63: {  	s31 =	smov.u32 s5;
	s18 =	sshra.s32 s1, $0x2;
	[sflag:s20] =	ssyncset.done $0x0  }
0x64: {  	s0 =	sadd.s32 $0x80, s18;
	[sflag:s20] =	ssyncadd.s32 $0xFFFFE000  }
0x65: {  	[tilespmem:s30], [sflag:$0x2] =	stream.indirect.gather [hbm4b:s4+s29], $0x40, s0, s29, $0xb8;
	[tilespmem:$0x17E00] =	vst v63  }
0x66: {  	_ =	swait.ge [sflag:s26], $0x2000  }
0x67: {  	[sflag:s26] =	ssyncset.done $0x0  }
0x68: {  	s1 =	sadd.s32 $0x4F00, s18;
	[sflag:s26] =	ssyncadd.s32 $0xFFFFE000  }
0x69: {  	[spmem:s2] =	stream.indirect.scatter.add.f32 [tilespmem:s19], [sflag:$0x3], $0x40, s1, s29, $0xb8;
	[tilespmem:$0x17E00] =	vst v63  }
0x6a: {  	_ =	swait.ge [sflag:s20], $0x2000  }
0x6b: {  	[sflag:s20] =	ssyncset.done $0x0  }
0x6c: {  	s5 =	sadd.s32 $0x100, s18;
	[sflag:s20] =	ssyncadd.s32 $0xFFFFE000  }
0x6d: {  	[tilespmem:s19], [sflag:$0x1] =	stream.indirect.gather [hbm4b:s4+s29], $0x40, s5, s29, $0xb8;
	[tilespmem:$0x17E00] =	vst v63  }
0x6e: {  	_ =	swait.ge [sflag:s28], $0x2000  }
0x6f: {  	[sflag:s28] =	ssyncset.done $0x0  }
0x70: {  	s31 =	sadd.s32 $0x4F80, s18;
	[sflag:s28] =	ssyncadd.s32 $0xFFFFE000  }
0x71: {  	[spmem:s2] =	stream.indirect.scatter.add.f32 [tilespmem:s30], [sflag:$0x3], $0x40, s31, s29, $0xb8;
	[tilespmem:$0x17E00] =	vst v63  }
0x72: {  	_ =	swait.ge [sflag:s20], $0x2000  }
0x73: {  	[sflag:s20] =	ssyncset.done $0x0  }
0x74: {  	s1 =	simm.s32 $0x4E80;
	[sflag:s20] =	ssyncadd.s32 $0xFFFFE000  }
0x75: {  	[tilespmem:s30], [sflag:$0x2] =	stream.indirect.gather [hbm4b:s4+s29], $0x40, s1, s29, $0xb8;
	[tilespmem:$0x17E00] =	vst v63  }
0x76: {  	_ =	swait.ge [sflag:s26], $0x2000  }
0x77: {  	[sflag:s26] =	ssyncset.done $0x0  }
0x78: {  	s5 =	simm.s32 $0x9D00;
	[sflag:s26] =	ssyncadd.s32 $0xFFFFE000  }
0x79: {  	[spmem:s2] =	stream.indirect.scatter.add.f32 [tilespmem:s19], [sflag:$0x3], $0x40, s5, s29, $0xb8;
	[tilespmem:$0x17E00] =	vst v63  }
0x7a: {  	_ =	swait.ge [sflag:s20], $0x2000  }
0x7b: {  	[sflag:s20] =	ssyncset.done $0x0  }
0x7c: {  	[sflag:s20] =	ssyncadd.s32 $0xFFFFE000  }
0x7d: {  	_ =	swait.ge [sflag:s28], $0x2000  }
0x7e: {  	[sflag:s28] =	ssyncset.done $0x0  }
0x7f: {  	s18 =	simm.s32 $0x9D80;
	[sflag:s28] =	ssyncadd.s32 $0xFFFFE000  }
0x80: {  	[spmem:s2] =	stream.indirect.scatter.add.f32 [tilespmem:s30], [sflag:$0x3], $0x40, s18, s29, $0xb8;
	[tilespmem:$0x17E00] =	vst v63  }
0x81: {  	_ =	swait.ge [sflag:s20], $0x2000  }
0x82: {  	s31 =	stileid.u32;
	[sflag:s20] =	ssyncset.done $0x0  }
0x83: {  	s0 =	sshll.u32 s31, $0x6;
	[sflag:s20] =	ssyncadd.s32 $0xFFFFE000  }
0x84: {  	s0 =	sor.u32 $0x1C03, s0;
	[bflag:$0x0] =	sbarrier.arrive $0xFFFF  }
0x85: {  	[hbm:s8], [sflag:s0] =	dma.local [spmem:s21], $0x400  }
0x86: {  	_ =	swait.ge [sflag:s20], $0x400  }
0x87: {  	[sflag:s20] =	ssyncset.done $0x0  }
0x88: {  	[sflag:s20] =	ssyncadd.s32 $0xFFFFFC00  }
0x89: {  	[hbm:s14], [sflag:s0] =	dma.local [spmem:s22], $0x400  }
0x8a: {  	_ =	swait.ge [sflag:s20], $0x400  }
0x8b: {  	[sflag:s20] =	ssyncset.done $0x0  }
0x8c: {  	[sflag:s20] =	ssyncadd.s32 $0xFFFFFC00  }
0x8d: {  	[hbm:s15], [sflag:s0] =	dma.local [spmem:s23], $0x400  }
0x8e: {  	_ =	swait.ge [sflag:s20], $0x400  }
0x8f: {  	[sflag:s20] =	ssyncset.done $0x0  }
0x90: {  	[sflag:s20] =	ssyncadd.s32 $0xFFFFFC00  }
0x91: {  	[hbm:s16], [sflag:s0] =	dma.local [spmem:s24], $0x400  }
0x92: {  	s3 =	sadd.s32 $0x1, s3;
	_ =	swait.ge [sflag:s20], $0x400  }
0x93: {  	p0 =	sne.s32 s3, s9;
	[sflag:s20] =	ssyncset.done $0x0  }
.Ltmp2:
0x94: {  	[sflag:s20] =	ssyncadd.s32 $0xFFFFFC00;
	(pc) =	sbr.rel @p0 .LBB2_1-.Ltmp2, $4  }
0x95: {  	[hbm:s17], [sflag:s0] =	dma.local [spmem:s25], $0x400  }
0x96: {  	_ =	swait.ge [sflag:s20], $0x400  }
0x97: {  	[sflag:s20] =	ssyncset.done $0x0  }
0x98: {  	[sflag:s20] =	ssyncadd.s32 $0xFFFFFC00  }
0x99: {  	_ =	sfence.sel $0x180000  }
0x9a: {  	[bflag:$0x0] =	sbarrier.arrive $0xFFFF  }
0x9b: {  	_ =	strace $0x9000004A  }
0x9c: {  	s0 =	stileid.u32;
	[bflag:$0x2] =	sbarrier.arrive $0xFFFF  }
0x9d: {  	p0 =	sne.s32 s0, $0x0;
	s0 =	rddreg [dreg:$0x3]  }
0x9e: {  	s0 =	sadd.s32 @!p0 $0x100000, s0  }
0x9f: {  	[sflag:s0] =	ssyncadd.tile.s32 @!p0 $0x1;
	_ =	shalt  }
.Lfunc_end2:
_tile_overlayer_lowered:
.L_overlay_start_2:
0xa0: {  	(tag) =	ssettag $0x2  }
0xa1: {  	s0 =	rddreg [dreg:$0x0];
	s2 =	stileid.u32  }
0xa2: {  	s1 =	rddreg [dreg:$0x1];
	p0 =	sne.s32 s2, $0x0  }
0xa3: {  	s3 =	rddreg [dreg:$0x2];
	[bflag:$0x3] =	sbarrier.arrive $0xFFFF;
	s2 =	simm.s32 @!p0 $0x1C03  }
0xa4: {  	[timem:s3], [sflag:s2] =	dma.local @!p0 [hbm:s0], s1  }
0xa5: {  	s0 =	simm.s32 @!p0 $0x3  }
0xa6: {  	_ =	swait.ge @!p0 [sflag:s0], s1  }
0xa7: {  	s1 =	ssub.s32 @!p0 $0x0, s1;
	[sflag:s0] =	ssyncset.done @!p0 $0x0  }
0xa8: {  	[sflag:s0] =	ssyncadd.s32 @!p0 s1  }
0xa9: {  	[bflag:$0x3] =	sbarrier.arrive $0xFFFF  }
0xaa: {  	_ =	shalt  }

// kernel: kernel.8.cloned.1.call-start
scs
__scs_entry_jumppad:
0x0: {  	(pc) =	sbr.rel $0x88, $3  }
0x1: {  	(tag) =	ssettag $0x0;
	lr =	simm.s32 $0x1  }
0x2: {  	[smem:$0x3F99] =	sst lr;
	_ =	strace $0xD0000000  }
0x3: {  	_ = 	snop  }
0x4: {  	_ = 	snop  }
0x5: {  	_ = 	snop  }
0x6: {  	_ = 	snop  }
0x7: {  	_ = 	snop  }
__scs_overlays_trampoline_lowered:
0x8: {  	[smem:$0x3FA8] =	sst s0  }
0x9: {  	[smem:$0x3FA9] =	sst s1  }
0xa: {  	[smem:$0x3FAA] =	sst s2  }
0xb: {  	[smem:$0x3FAB] =	sst s3  }
0xc: {  	[smem:$0x3FAC] =	sst s4  }
0xd: {  	[smem:$0x3FAD] =	sst s5  }
0xe: {  	[smem:$0x3FAE] =	sst s6  }
0xf: {  	[smem:$0x3FAF] =	sst s7  }
0x10: {  	[smem:$0x3FB0] =	sst s8  }
0x11: {  	[smem:$0x3FB1] =	sst s9;
	s0 =	simm.s32 @!p0 $0x0  }
0x12: {  	s1 =	sld [smem:$0x3F97];
	s0 =	simm.s32 @p0 $0x1  }
0x13: {  	[smem:$0x3FB2] =	sst s0;
	s0 =	simm.s32 @!p1 $0x0  }
0x14: {  	s2 =	sld [smem:$0x3F96];
	s0 =	simm.s32 @p1 $0x1  }
0x15: {  	[smem:$0x3FB3] =	sst s0;
	s0 =	simm.s32 @!p2 $0x0  }
0x16: {  	s3 =	sld [smem:$0x3FDB];
	s0 =	simm.s32 @p2 $0x1  }
0x17: {  	s4 =	simm.s32 $0x1BF5;
	[smem:$0x3FB5] =	sst s0  }
0x18: {  	s0 =	sld [smem:$0x3F98];
	_ =	swait.ge [sflag:s4], $0x0  }
0x19: {  	s7 =	sld [smem:$0x3F99]  }
0x1a: {  	s8 =	sadd.s32 $0xFFFFE003, lr  }
0x1b: {  	s9 =	sadd.s32 $0xFFFFFEF7, lr;
	s5 =	simm.s32 $0xFFFFFFFF;
	p2 =	slt.u32 s8, $0xFFFFF086  }
0x1c: {  	p1 =	slt.u32 s9, $0xF7A;
	s5 =	simm.s32 @!p2 $0x0  }
0x1d: {  	s5 =	simm.s32 @p1 $0x1;
	p0 =	seq.s32 s7, s2  }
0x1e: {  	s7 =	smul.u32 @!p0 $0xF7A, s2;
	p2 =	seq.s32 @!p0 s5, $0x0  }
0x1f: {  	s9 =	smul.u32 $0xF7A, s1;
	s8 =	simm.s32 @!p0 $0x1BF5;
	p2 =	por !p2, p0  }
0x20: {  	[sflag:s8] =	ssyncset.s32 @!p0 $0xFFFFF086;
	s6 =	sadd.s32 @!p0 s3, s7;
	s7 =	simm.s32 @!p0 $0x108  }
0x21: {  	s3 =	sadd.s32 s3, s9;
	s6 =	sadd.s32 @!p0 $0x88, s6;
	s7 =	simm.s32 @p2 $0x1082  }
0x22: {  	[simem:s7], [sflag:s8] =	dma.local @!p0 [hbm:s6], $0xF7A  }
0x23: {  	s9 =	sor.u32 $0xD0000000, s2;
	s6 =	simm.s32 $0x108;
	_ =	swait.ge @!p0 [sflag:s8], $0x0  }
0x24: {  	s3 =	sadd.s32 $0x88, s3;
	s6 =	simm.s32 @!p1 $0x1082;
	[sflag:s4] =	ssyncset.s32 $0xFFFFF086  }
0x25: {  	[simem:s6], [sflag:s4] =	dma.local [hbm:s3], $0xF7A  }
0x26: {  	[smem:$0x3F99] =	sst s1;
	(tag) =	ssettag s2;
	_ =	strace s9  }
0x27: {  	s1 =	sld [smem:$0x3FA9]  }
0x28: {  	s2 =	sld [smem:$0x3FAA]  }
0x29: {  	s4 =	sld [smem:$0x3FAC]  }
0x2a: {  	p0 =	seq.s32 s5, $0x0;
	s5 =	sld [smem:$0x3FAD]  }
0x2b: {  	s6 =	sld [smem:$0x3FAE]  }
0x2c: {  	s7 =	sld [smem:$0x3FAF]  }
0x2d: {  	s3 =	simm.s32 $0x108;
	s8 =	sld [smem:$0x3FB0]  }
0x2e: {  	s3 =	simm.s32 @!p0 $0x1082;
	s9 =	sld [smem:$0x3FB1]  }
0x2f: {  	lr =	sadd.s32 s0, s3;
	s0 =	sld [smem:$0x3FA8]  }
0x30: {  	s3 =	sld [smem:$0x3FAB]  }
0x31: {  	[smem:$0x3FB4] =	sst s10  }
0x32: {  	s10 =	sld [smem:$0x3FB2];
	_ =	sdelay $0x3  }
0x33: {  	p0 =	seq.s32 s10, $0x1;
	s10 =	sld [smem:$0x3FB4];
	_ =	sdelay $0x3  }
0x34: {  	[smem:$0x3FB4] =	sst s10  }
0x35: {  	s10 =	sld [smem:$0x3FB3];
	_ =	sdelay $0x3  }
0x36: {  	p1 =	seq.s32 s10, $0x1;
	s10 =	sld [smem:$0x3FB4];
	_ =	sdelay $0x3  }
0x37: {  	[smem:$0x3FB4] =	sst s10  }
0x38: {  	s10 =	sld [smem:$0x3FB5]  }
0x39: {  	_ = 	snop;
	(pc) =	sbr.ind lr, $3  }
0x3a: {  	_ = 	snop  }
0x3b: {  	_ = 	snop  }
0x3c: {  	p2 =	seq.s32 s10, $0x1;
	s10 =	sld [smem:$0x3FB4]  }
0x3d: {  	_ =	shalt  }
0x3e: {  	_ =	shalt  }
0x3f: {  	_ =	shalt  }
0x40: {  	_ =	shalt  }
0x41: {  	_ =	shalt  }
0x42: {  	_ =	shalt  }
0x43: {  	_ =	shalt  }
0x44: {  	_ =	shalt  }
0x45: {  	_ =	shalt  }
0x46: {  	_ =	shalt  }
0x47: {  	_ =	shalt  }
0x48: {  	_ =	shalt  }
0x49: {  	_ =	shalt  }
0x4a: {  	_ =	shalt  }
0x4b: {  	_ =	shalt  }
0x4c: {  	_ =	shalt  }
0x4d: {  	_ =	shalt  }
0x4e: {  	_ =	shalt  }
0x4f: {  	_ =	shalt  }
0x50: {  	_ =	shalt  }
0x51: {  	_ =	shalt  }
0x52: {  	_ =	shalt  }
0x53: {  	_ =	shalt  }
0x54: {  	_ =	shalt  }
0x55: {  	_ =	shalt  }
0x56: {  	_ =	shalt  }
0x57: {  	_ =	shalt  }
0x58: {  	_ =	shalt  }
0x59: {  	_ =	shalt  }
0x5a: {  	_ =	shalt  }
0x5b: {  	_ =	shalt  }
0x5c: {  	_ =	shalt  }
0x5d: {  	_ =	shalt  }
0x5e: {  	_ =	shalt  }
0x5f: {  	_ =	shalt  }
0x60: {  	_ =	shalt  }
0x61: {  	_ =	shalt  }
0x62: {  	_ =	shalt  }
0x63: {  	_ =	shalt  }
0x64: {  	_ =	shalt  }
0x65: {  	_ =	shalt  }
0x66: {  	_ =	shalt  }
0x67: {  	_ =	shalt  }
0x68: {  	_ =	shalt  }
0x69: {  	_ =	shalt  }
0x6a: {  	_ =	shalt  }
0x6b: {  	_ =	shalt  }
0x6c: {  	_ =	shalt  }
0x6d: {  	_ =	shalt  }
0x6e: {  	_ =	shalt  }
0x6f: {  	_ =	shalt  }
0x70: {  	_ =	shalt  }
0x71: {  	_ =	shalt  }
0x72: {  	_ =	shalt  }
0x73: {  	_ =	shalt  }
0x74: {  	_ =	shalt  }
0x75: {  	_ =	shalt  }
0x76: {  	_ =	shalt  }
0x77: {  	_ =	shalt  }
0x78: {  	_ =	shalt  }
0x79: {  	_ =	shalt  }
0x7a: {  	_ =	shalt  }
0x7b: {  	_ =	shalt  }
0x7c: {  	_ =	shalt  }
0x7d: {  	_ =	shalt  }
0x7e: {  	_ =	shalt  }
0x7f: {  	_ =	shalt  }
0x80: {  	_ =	shalt  }
0x81: {  	_ =	shalt  }
0x82: {  	_ =	shalt  }
0x83: {  	_ =	shalt  }
0x84: {  	_ =	shalt  }
0x85: {  	_ =	shalt  }
0x86: {  	_ =	shalt  }
0x87: {  	_ =	shalt  }
.Lfunc_end0:
.L_simem_size_0:
called_computation_lowered:
.L_overlay_start_0:
0x88: {  	s2 =	sld [smem:$0x3FD9]  }
0x89: {  	s3 =	sld [smem:$0x3FFE];
	_ =	sdelay $0x1  }
0x8a: {  	s1 =	srdreg.scid  }
0x8b: {  	s0 =	sand.u32 $0x1, s1  }
0x8c: {  	s17 =	sshll.u32 s0, $0xA;
	s2 =	sadd.s32 s3, s2  }
0x8d: {  	s2 =	sadd.s32 s2, s17  }
0x8e: {  	[smem:$0x3FC0] =	sst s2  }
0x8f: {  	_ = 	snop  }
0x90: {  	s2 =	sld [smem:$0x3FD0];
	(tm) =	ssettm $0x1  }
0x91: {  	s18 =	sld [smem:$0x3FFB];
	_ =	sdelay $0x3  }
0x92: {  	_ =	strace s18  }
0x93: {  	s3 =	sld [smem:$0x3FFC];
	_ =	sdelay $0x3  }
0x94: {  	_ =	strace s3  }
0x95: {  	s3 =	sld [smem:$0x3FFD];
	_ =	sdelay $0x3  }
0x96: {  	_ =	strace s3  }
0x97: {  	_ =	strace $0x8FFFFFFF  }
0x98: {  	s19 =	sld [smem:$0x3FDB];
	_ =	sdelay $0x1  }
0x99: {  	s4 =	simm.s32 $_scs_section_size  }
0x9a: {  	s5 =	simm.s32 $_size__tile_overlayer_lowered;
	s6 =	simm.s32 $_tile_overlayer_lowered  }
0x9b: {  	s22 =	simm.s32 $0x1BFF;
	s21 =	sshll.u32 s6, $0x1;
	s3 =	sadd.s32 s4, s19  }
0x9c: {  	s7 =	simm.s32 $0x0;
	s20 =	sshll.u32 s5, $0x1;
	s5 =	sadd.s32 s21, s3  }
0x9d: {  	[timem:s7], [sflag:s22] =	dma.local [hbm:s5], s20  }
0x9e: {  	_ =	swait.ge [sflag:s22], s20  }
0x9f: {  	s4 =	ssub.s32 $0x0, s20;
	[sflag:s22] =	ssyncset.done $0x0  }
0xa0: {  	[sflag:s22] =	ssyncadd.s32 s4;
	_ =	sdelay $0x1  }
0xa1: {  	s23 =	simm.s32 $0x1B8B  }
0xa2: {  	_ =	swait.ge [sflag:s23], $0x1  }
0xa3: {  	[sflag:s23] =	ssyncset.done $0x0  }
0xa4: {  	s25 =	simm.s32 $0x1B8E;
	s24 =	sld [smem:$0x3FFE];
	[sflag:s23] =	ssyncadd.s32 $0xFFFFFFFF  }
0xa5: {  	s26 =	simm.s32 $execute0_lowered;
	[smem:$0x3FD2] =	sst s25  }
0xa6: {  	s5 =	sshll.u32 s26, $0x1;
	_ =	strace $0x80000046;
	[dreg:$0x1] =	wrdreg $0xFFFFFFFF  }
0xa7: {  	s28 =	simm.s32 $_size_execute0_lowered;
	s3 =	sadd.s32 s3, s5;
	[dreg:$0x0] =	wrdreg $0x0  }
0xa8: {  	s5 =	sshll.u32 s28, $0x1;
	[dreg:$0x2] =	wrdreg s3  }
0xa9: {  	[dreg:$0x3] =	wrdreg s5  }
0xaa: {  	[dreg:$0x4] =	wrdreg $0xC0  }
0xab: {  	_ =	task [dreg:s7], $0x5FFFF  }
0xac: {  	[dreg:$0x1] =	wrdreg $0xFFFFFFFF  }
0xad: {  	[dreg:$0x0] =	wrdreg $0x60  }
0xae: {  	[dreg:$0x2] =	wrdreg s24  }
0xaf: {  	[dreg:$0x3] =	wrdreg s2  }
0xb0: {  	[dreg:$0x4] =	wrdreg $0xDE000  }
0xb1: {  	[dreg:$0x5] =	wrdreg $0x18E000  }
0xb2: {  	[dreg:$0x6] =	wrdreg $0x9  }
0xb3: {  	_ =	task.clear_ibuf [dreg:s7], $0x7FFFF;
	_ =	strace $0x90000046  }
0xb4: {  	s29 =	simm.s32 $0x9;
	_ =	strace $0x80000048  }
0xb5: {  	_ =	swait.ge [sflag:s29], $0x1  }
0xb6: {  	[sflag:s29] =	ssyncadd.s32 $0xFFFFFFFF  }
0xb7: {  	_ =	strace $0x90000048  }
0xb8: {  	_ =	sfence  }
0xb9: {  	s30 =	sld [smem:$0x0];
	_ =	sdelay $0x2  }
0xba: {  	s31 =	sshll.u32 s1, $0xD;
	s1 =	sshrl.u32 s1, $0x2  }
0xbb: {  	s3 =	sand.u32 $0x4000, s31;
	s1 =	sadd.s32 s1, s30  }
0xbc: {  	s0 =	sor.u32 s3, s0;
	s1 =	sshll.u32 s1, $0x11  }
0xbd: {  	s0 =	sor.u32 s1, s0  }
0xbe: {  	s0 =	sadd.s32 $0x8F2B, s0  }
0xbf: {  	[sflag:s0] =	ssyncadd.remote.s32 $0x1  }
0xc0: {  	_ =	sfence.sel $0xFFFF  }
0xc1: {  	[dreg:$0x0] =	wrdreg $0xFFFFFFFF;
	(pc) =	sbr.abs _section_cstart, $3  }
0xc2: {  	[dreg:$0x1] =	wrdreg $0xFFFFFFFF  }
0xc3: {  	_ =	task.clear_ibuf [dreg:s7], $0x2FFFF;
	_ =	strace $0x9FFFFFFF  }
0xc4: {  	(tm) =	ssettm $0x7FFFFFFF  }
0xc5: {  	_ =	shalt  }
tec
execute0_lowered:
.L_overlay_start_1:
0x0: {  	(tag) =	ssettag $0x1  }
0x1: {  	s22 =	stileid.u32  }
0x2: {  	s0 =	srdreg.scid;
	s5 =	smul.u32 $0x4F00, s22  }
0x3: {  	s3 =	rddreg [dreg:$0x0];
	s2 =	sand.u32 $0x1, s0;
	s0 =	smul.u32 $0xA000, s22  }
0x4: {  	s4 =	rddreg [dreg:$0x1];
	s1 =	simm.s32 $0x0;
	s12 =	smul.u32 $0x280, s22  }
0x5: {  	[smem:$0x7FF] =	sst s1;
	s7 =	sadd.s32 $0x3DA00, s3;
	s6 =	smul.u32 $0x4F000, s2  }
0x6: {  	s9 =	sadd.s32 $0x33A00, s3;
	s8 =	smul.u32 $0xA0000, s2;
	s10 =	ssub.s32 $0x2, s2  }
0x7: {  	s26 =	smul.u32 $0x28000, s2;
	p0 =	seq.s32 s2, $0x0;
	s11 =	sshrl.u32 s10, $0x1  }
0x8: {  	s25 =	sadd.s32 $0x80, s12;
	s14 =	sadd.s32 $0x100, s12;
	s15 =	sadd.s32 $0x180, s12  }
0x9: {  	s12 =	sadd.s32 $0x200, s12;
	s6 =	sadd.s32 s5, s6;
	s10 =	ssub.s32 s10, s11  }
0xa: {  	s23 =	sadd.s32 s8, s0;
	s13 =	sshll.u32 s25, $0x6;
	s17 =	sshll.u32 s14, $0x6  }
0xb: {  	s19 =	sshll.u32 s15, $0x6;
	s20 =	sshll.u32 s12, $0x6;
	s15 =	sshll.u32 s15, $0x4  }
0xc: {  	s5 =	sshrl.u32 s5, $0x3;
	s6 =	sshrl.u32 s6, $0x3;
	s24 =	sshrl.u32 s23, $0x3  }
0xd: {  	s16 =	sadd.s32 s8, s13;
	s28 =	sadd.s32 s8, s17;
	s21 =	sadd.s32 s8, s19  }
0xe: {  	s8 =	sadd.s32 s8, s20;
	s23 =	sadd.s32 s26, s15;
	s5 =	sadd.s32 s5, s3  }
0xf: {  	s4 =	sadd.s32 s4, s6;
	s16 =	sshrl.u32 s16, $0x3;
	s6 =	sshll.u32 s25, $0x4  }
0x10: {  	s21 =	sshrl.u32 s21, $0x3;
	s8 =	sshrl.u32 s8, $0x3;
	s25 =	smul.u32 $0x28000, s22  }
0x11: {  	[dreg:$0x5] =	wrdreg s4;
	s4 =	sadd.s32 s7, s24;
	s16 =	sadd.s32 s7, s16  }
0x12: {  	s30 =	sadd.s32 s7, s21;
	s31 =	sadd.s32 s26, s6;
	[dreg:$0x6] =	wrdreg s4  }
0x13: {  	s24 =	sshrl.u32 s23, $0x3;
	[dreg:$0x7] =	wrdreg s16;
	s16 =	sshrl.u32 s28, $0x3  }
0x14: {  	s4 =	smul.u32 $0x2800, s22;
	[dreg:$0x9] =	wrdreg s30;
	s16 =	sadd.s32 s7, s16  }
0x15: {  	s28 =	sshrl.u32 s25, $0x2;
	s7 =	sadd.s32 s7, s8;
	[dreg:$0x8] =	wrdreg s16  }
0x16: {  	s8 =	sshll.u32 s14, $0x4;
	s14 =	sadd.s32 s9, s24;
	[dreg:$0xa] =	wrdreg s7  }
0x17: {  	s30 =	sshrl.u32 s0, $0x2;
	s18 =	sadd.s32 s26, s4;
	[dreg:$0xe] =	wrdreg s14  }
0x18: {  	s7 =	sshrl.u32 s31, $0x3;
	s14 =	rddreg [dreg:$0x3];
	s31 =	smax.u32 s10, $0x1  }
0x19: {  	s10 =	sshrl.u32 s13, $0x2;
	s18 =	sshrl.u32 s18, $0x3;
	s7 =	sadd.s32 s9, s7  }
0x1a: {  	s23 =	sadd.s32 s4, s14;
	s16 =	sadd.s32 s9, s18;
	s18 =	sadd.s32 s26, s8  }
0x1b: {  	s25 =	sadd.s32 s6, s14;
	[dreg:$0xc] =	wrdreg s7;
	s21 =	sshrl.u32 s18, $0x3  }
0x1c: {  	s6 =	simm.s32 $0x9E00;
	[dreg:$0xb] =	wrdreg s16;
	s7 =	sadd.s32 s9, s21  }
0x1d: {  	s16 =	sadd.s32 $0x1C00, s3;
	[dreg:$0xd] =	wrdreg s7;
	s7 =	sshll.u32 s12, $0x4  }
0x1e: {  	s18 =	smul.u32 $0x4F, s2;
	s12 =	rddreg [dreg:$0x2];
	s11 =	sadd.s32 s26, s7  }
0x1f: {  	s26 =	sadd.s32 $0x29C00, s5;
	s2 =	sadd.s32 s28, s12;
	s22 =	sadd.s32 s13, s12  }
0x20: {  	s24 =	sadd.s32 s17, s12;
	s29 =	sadd.s32 s20, s12;
	s11 =	sshrl.u32 s11, $0x3  }
0x21: {  	s0 =	sadd.s32 s0, s12;
	s28 =	sadd.s32 s8, s14;
	s9 =	sadd.s32 s9, s11  }
0x22: {  	s5 =	sadd.s32 $0x4F, s18;
	s8 =	simm.s32 $0x18600;
	[dreg:$0xf] =	wrdreg s9  }
0x23: {  	s0 =	sshrl.u32 s0, $0x3;
	_ =	strace $0x80000047;
	[dreg:$0x10] =	wrdreg s26  }
0x24: {  	s11 =	sshrl.u32 s17, $0x2;
	s17 =	sshrl.u32 s19, $0x2;
	[dreg:$0x11] =	wrdreg s31  }
0x25: {  	s9 =	sadd.s32 s30, s14;
	s13 =	sadd.s32 s11, s14;
	[dreg:$0x12] =	wrdreg s2  }
0x26: {  	s30 =	sadd.s32 s15, s14;
	s11 =	sshrl.u32 s23, $0x3;
	[dreg:$0x13] =	wrdreg s9  }
0x27: {  	s15 =	simm.s32 $0x1;
	s2 =	sadd.s32 s10, s14;
	[dreg:$0x15] =	wrdreg s13  }
0x28: {  	s26 =	sadd.s32 s19, s12;
	s19 =	sshrl.u32 s20, $0x2;
	s31 =	sadd.s32 s7, s14  }
0x29: {  	[dreg:$0x18] =	wrdreg s0;
	s0 =	sshrl.u32 s25, $0x3;
	s3 =	sshrl.u32 s30, $0x3  }
0x2a: {  	s7 =	simm.s32 $0x4;
	s9 =	simm.s32 $0x2;
	s10 =	simm.s32 $0x80  }
0x2b: {  	s13 =	simm.s32 $0xBE00;
	[dreg:$0x14] =	wrdreg s2;
	s2 =	sadd.s32 s17, s14  }
0x2c: {  	s21 =	sadd.s32 s19, s14;
	s4 =	sshrl.u32 s31, $0x3;
	[dreg:$0x16] =	wrdreg s2  }
0x2d: {  	v0 =	vimm.f32 $0.0e+00;
	v1 =	vimm.f32 $1.000000000e+00;
	s17 =	simm.s32 $0x3;
	[dreg:$0x17] =	wrdreg s21;
	s2 =	sshrl.u32 s28, $0x3  }
.LBB2_1:
0x2e: {  	s19 =	simm.s32 $0x9E20  }
0x2f: {  	[tilespmem:s19+$0xFFFFFFE0] =	vst v0  }
0x30: {  	[tilespmem:s19+$0x10] =	vst v0  }
0x31: {  	[tilespmem:s19+$0x0] =	vst v0  }
0x32: {  	s20 =	simm.s32 $0x40;
	s21 =	simm.s32 $0x0;
	[tilespmem:s19+$0xFFFFFFF0] =	vst v0  }
.LBB2_2:
0x33: {  	p1 =	sne.s32 s20, $0x1FC0  }
0x34: {  	[tilespmem:s21+$0x17E00] =	vst v1;
	s19 =	sadd.s32 $0x40, s19;
	s23 =	smov.u32 s20;
	s20 =	sadd.s32 $0x40, s20  }
.Ltmp0:
0x35: {  	[tilespmem:s21+$0x18600] =	vst v0;
	(pc) =	sbr.rel @p1 .LBB2_2-.Ltmp0, $4  }
0x36: {  	[tilespmem:s19+$0xFFFFFFE0] =	vst v0  }
0x37: {  	[tilespmem:s19+$0x10] =	vst v0  }
0x38: {  	[tilespmem:s19+$0x0] =	vst v0  }
0x39: {  	s21 =	sshra.s32 s23, $0x2;
	[tilespmem:s19+$0xFFFFFFF0] =	vst v0  }
0x3a: {  	[tilespmem:s21+$0x17E00] =	vst v1  }
0x3b: {  	[tilespmem:s21+$0x18600] =	vst v0;
	s19 =	simm.s32 $0x0;
	s20 =	rddreg [dreg:$0x5]  }
0x3c: {  	[tilespmem:s19], [sflag:$0x1] =	stream.linear.gather [hbm4b:s20+s19], $0x4F00, $0x38;
	[tilespmem:$0x1B600] =	vst v63  }
0x3d: {  	s23 =	rddreg [dreg:$0x10];
	s25 =	simm.s32 $0x4F00  }
0x3e: {  	[tilespmem:s25], [sflag:$0x2] =	stream.linear.gather [hbm4b:s23+s19], $0x4F00, $0x38;
	[tilespmem:$0x1B600] =	vst v63  }
0x3f: {  	s28 =	rddreg [dreg:$0x12]  }
0x40: {  	[spmem:s28] =	stream.linear.scatter [tilespmem:s6], [sflag:$0x4], $0x2000, $0x38;
	[tilespmem:$0x1B600] =	vst v63  }
0x41: {  	_ =	swait.ge [sflag:s7], $0x2000  }
0x42: {  	[sflag:s7] =	ssyncset.done $0x0  }
0x43: {  	s30 =	rddreg [dreg:$0x13];
	[sflag:s7] =	ssyncadd.s32 $0xFFFFE000  }
0x44: {  	[spmem:s30] =	stream.linear.scatter [tilespmem:s8], [sflag:$0x4], $0x800, $0x38;
	[tilespmem:$0x1B600] =	vst v63  }
0x45: {  	_ =	swait.ge [sflag:s7], $0x800  }
0x46: {  	[sflag:s7] =	ssyncset.done $0x0  }
0x47: {  	[sflag:s7] =	ssyncadd.s32 $0xFFFFF800  }
0x48: {  	[spmem:s22] =	stream.linear.scatter [tilespmem:s6], [sflag:$0x4], $0x2000, $0x38;
	[tilespmem:$0x1B600] =	vst v63  }
0x49: {  	_ =	swait.ge [sflag:s7], $0x2000  }
0x4a: {  	[sflag:s7] =	ssyncset.done $0x0  }
0x4b: {  	s31 =	rddreg [dreg:$0x14];
	[sflag:s7] =	ssyncadd.s32 $0xFFFFE000  }
0x4c: {  	[spmem:s31] =	stream.linear.scatter [tilespmem:s8], [sflag:$0x4], $0x800, $0x38;
	[tilespmem:$0x1B600] =	vst v63  }
0x4d: {  	_ =	swait.ge [sflag:s7], $0x800  }
0x4e: {  	[sflag:s7] =	ssyncset.done $0x0  }
0x4f: {  	[sflag:s7] =	ssyncadd.s32 $0xFFFFF800  }
0x50: {  	[spmem:s24] =	stream.linear.scatter [tilespmem:s6], [sflag:$0x4], $0x2000, $0x38;
	[tilespmem:$0x1B600] =	vst v63  }
0x51: {  	_ =	swait.ge [sflag:s7], $0x2000  }
0x52: {  	[sflag:s7] =	ssyncset.done $0x0  }
0x53: {  	s21 =	rddreg [dreg:$0x15];
	[sflag:s7] =	ssyncadd.s32 $0xFFFFE000  }
0x54: {  	[spmem:s21] =	stream.linear.scatter [tilespmem:s8], [sflag:$0x4], $0x800, $0x38;
	[tilespmem:$0x1B600] =	vst v63  }
0x55: {  	_ =	swait.ge [sflag:s7], $0x800  }
0x56: {  	[sflag:s7] =	ssyncset.done $0x0  }
0x57: {  	[sflag:s7] =	ssyncadd.s32 $0xFFFFF800  }
0x58: {  	[spmem:s26] =	stream.linear.scatter [tilespmem:s6], [sflag:$0x4], $0x2000, $0x38;
	[tilespmem:$0x1B600] =	vst v63  }
0x59: {  	_ =	swait.ge [sflag:s7], $0x2000  }
0x5a: {  	[sflag:s7] =	ssyncset.done $0x0  }
0x5b: {  	s23 =	rddreg [dreg:$0x16];
	[sflag:s7] =	ssyncadd.s32 $0xFFFFE000  }
0x5c: {  	[spmem:s23] =	stream.linear.scatter [tilespmem:s8], [sflag:$0x4], $0x800, $0x38;
	[tilespmem:$0x1B600] =	vst v63  }
0x5d: {  	_ =	swait.ge [sflag:s7], $0x800  }
0x5e: {  	[sflag:s7] =	ssyncset.done $0x0  }
0x5f: {  	[sflag:s7] =	ssyncadd.s32 $0xFFFFF800  }
0x60: {  	[spmem:s29] =	stream.linear.scatter [tilespmem:s6], [sflag:$0x4], $0x2000, $0x38;
	[tilespmem:$0x1B600] =	vst v63  }
0x61: {  	_ =	swait.ge [sflag:s7], $0x2000  }
0x62: {  	[sflag:s7] =	ssyncset.done $0x0  }
0x63: {  	s25 =	rddreg [dreg:$0x17];
	[sflag:s7] =	ssyncadd.s32 $0xFFFFE000  }
0x64: {  	[spmem:s25] =	stream.linear.scatter [tilespmem:s8], [sflag:$0x4], $0x800, $0x38;
	[tilespmem:$0x1B600] =	vst v63  }
0x65: {  	_ =	swait.ge [sflag:s7], $0x800  }
0x66: {  	[sflag:s7] =	ssyncset.done $0x0  }
0x67: {  	s28 =	simm.s32 $0x1;
	[sflag:s7] =	ssyncadd.s32 $0xFFFFF800  }
0x68: {  	_ =	swait.ge [sflag:s28], $0x4F00  }
0x69: {  	[sflag:s28] =	ssyncset.done $0x0  }
0x6a: {  	[sflag:s28] =	ssyncadd.s32 $0xFFFFB100  }
0x6b: {  	_ =	swait.ge [sflag:s9], $0x4F00  }
0x6c: {  	[sflag:s9] =	ssyncset.done $0x0  }
0x6d: {  	[sflag:s9] =	ssyncadd.s32 $0xFFFFB100  }
0x6e: {  	[bflag:$0x0] =	sbarrier.arrive $0xFFFF  }
0x6f: {  	[tilespmem:s6], [sflag:$0x1] =	stream.indirect.gather [hbm4b:s16+s10], $0x40, s19, s10, $0xb8;
	[tilespmem:$0x1B600] =	vst v63  }
0x70: {  	s30 =	simm.s32 $0x80  }
0x71: {  	[tilespmem:s13], [sflag:$0x2] =	stream.indirect.gather [hbm4b:s16+s10], $0x40, s30, s10, $0xb8;
	[tilespmem:$0x1B600] =	vst v63  }
0x72: {  	_ =	swait.ge [sflag:s15], $0x2000  }
0x73: {  	[sflag:s15] =	ssyncset.done $0x0  }
0x74: {  	p1 =	sgt.u32 s18, $0x0;
	s19 =	simm.s32 $0x4F00;
	[sflag:s15] =	ssyncadd.s32 $0xFFFFE000  }
0x75: {  	[spmem:s12] =	stream.indirect.scatter.add.f32 [tilespmem:s6], [sflag:$0x4], $0x40, s19, s10, $0xb8;
	[tilespmem:$0x1B600] =	vst v63  }
0x76: {  	p2 =	sle.u32 @!p1 s5, $0x0;
	_ =	swait.ge [sflag:s7], $0x2000  }
0x77: {  	p1 =	por p2, p1;
	[sflag:s7] =	ssyncset.done $0x0  }
0x78: {  	s20 =	simm.s32 @!p1 $0x80;
	s21 =	simm.s32 @!p1 $0x17E00;
	[sflag:s7] =	ssyncadd.s32 $0xFFFFE000  }
0x79: {  	[spmem:s14] =	stream.indirect.scatter.add.f32 @!p1 [tilespmem:s21], [sflag:$0x3], $0x10, s19, s20, $0xb8;
	[tilespmem:$0x1B600] =	vst v63  }
0x7a: {  	s31 =	simm.s32 $0x100  }
0x7b: {  	[tilespmem:s6], [sflag:$0x1] =	stream.indirect.gather [hbm4b:s16+s10], $0x40, s31, s10, $0xb8;
	[tilespmem:$0x1B600] =	vst v63  }
0x7c: {  	s23 =	simm.s32 $0x4F80;
	_ =	swait.ge [sflag:s9], $0x2000  }
0x7d: {  	p1 =	sgt.u32 s18, $0x1;
	s20 =	simm.s32 $0x400;
	[sflag:s9] =	ssyncset.done $0x0  }
0x7e: {  	s21 =	simm.s32 $0x800;
	p2 =	sle.u32 @!p1 s5, $0x1;
	[sflag:s9] =	ssyncadd.s32 $0xFFFFE000  }
0x7f: {  	[spmem:s12] =	stream.indirect.scatter.add.f32 [tilespmem:s13], [sflag:$0x4], $0x40, s23, s10, $0xb8;
	[tilespmem:$0x1B600] =	vst v63  }
0x80: {  	s19 =	simm.s32 $0x3;
	p2 =	por p2, p1;
	_ =	swait.ge [sflag:s7], $0x2000  }
.LBB2_4:
0x81: {  	s25 =	sshra.s32 s20, $0x2  }
0x82: {  	[sflag:s7] =	ssyncset.done $0x0;
	s20 =	smov.u32 s21;
	s21 =	sadd.s32 $0x400, s21  }
0x83: {  	s28 =	simm.s32 @!p2 $0x80;
	s30 =	simm.s32 @!p2 $0x17E00;
	[sflag:s7] =	ssyncadd.s32 $0xFFFFE000  }
0x84: {  	[spmem:s14] =	stream.indirect.scatter.add.f32 @!p2 [tilespmem:s30], [sflag:$0x3], $0x10, s23, s28, $0xb8;
	[tilespmem:$0x1B600] =	vst v63  }
0x85: {  	p1 =	sne.s32 s21, $0x13800;
	s23 =	sadd.s32 $0x80, s25  }
0x86: {  	[tilespmem:s13], [sflag:$0x2] =	stream.indirect.gather [hbm4b:s16+s10], $0x40, s23, s10, $0xb8;
	[tilespmem:$0x1B600] =	vst v63  }
0x87: {  	s28 =	sadd.s32 $0x4F00, s25;
	s23 =	sadd.s32 $0xFFFFFFFF, s19;
	_ =	swait.ge [sflag:s15], $0x2000  }
0x88: {  	p2 =	sgt.u32 s18, s23;
	[sflag:s15] =	ssyncset.done $0x0  }
0x89: {  	p3 =	sge.u32 @!p2 s23, s5;
	[sflag:s15] =	ssyncadd.s32 $0xFFFFE000  }
0x8a: {  	[spmem:s12] =	stream.indirect.scatter.add.f32 [tilespmem:s6], [sflag:$0x4], $0x40, s28, s10, $0xb8;
	[tilespmem:$0x1B600] =	vst v63  }
0x8b: {  	s23 =	sadd.s32 $0x100, s25;
	p2 =	por p3, p2;
	_ =	swait.ge [sflag:s7], $0x2000  }
0x8c: {  	s30 =	simm.s32 @!p2 $0x80;
	s31 =	simm.s32 @!p2 $0x17E00;
	[sflag:s7] =	ssyncset.done $0x0  }
0x8d: {  	[sflag:s7] =	ssyncadd.s32 $0xFFFFE000  }
0x8e: {  	[spmem:s14] =	stream.indirect.scatter.add.f32 @!p2 [tilespmem:s31], [sflag:$0x3], $0x10, s28, s30, $0xb8;
	[tilespmem:$0x1B600] =	vst v63  }
0x8f: {  	_ = 	snop  }
0x90: {  	[tilespmem:s6], [sflag:$0x1] =	stream.indirect.gather [hbm4b:s16+s10], $0x40, s23, s10, $0xb8;
	[tilespmem:$0x1B600] =	vst v63  }
.Ltmp1:
0x91: {  	s23 =	sadd.s32 $0x4F80, s25;
	_ =	swait.ge [sflag:s9], $0x2000;
	(pc) =	sbr.rel @p1 .LBB2_4-.Ltmp1, $4  }
0x92: {  	p2 =	sgt.u32 s18, s19;
	[sflag:s9] =	ssyncset.done $0x0  }
0x93: {  	p3 =	sge.u32 @!p2 s19, s5;
	[sflag:s9] =	ssyncadd.s32 $0xFFFFE000  }
0x94: {  	[spmem:s12] =	stream.indirect.scatter.add.f32 [tilespmem:s13], [sflag:$0x4], $0x40, s23, s10, $0xb8;
	[tilespmem:$0x1B600] =	vst v63  }
0x95: {  	s19 =	sadd.s32 $0x2, s19;
	p2 =	por p3, p2;
	_ =	swait.ge [sflag:s7], $0x2000  }
0x96: {  	s20 =	sshra.s32 s20, $0x2;
	[sflag:s7] =	ssyncset.done $0x0  }
0x97: {  	s21 =	simm.s32 @!p2 $0x80;
	s25 =	simm.s32 @!p2 $0x17E00;
	[sflag:s7] =	ssyncadd.s32 $0xFFFFE000  }
0x98: {  	[spmem:s14] =	stream.indirect.scatter.add.f32 @!p2 [tilespmem:s25], [sflag:$0x3], $0x10, s23, s21, $0xb8;
	[tilespmem:$0x1B600] =	vst v63  }
0x99: {  	s25 =	sadd.s32 $0x80, s20  }
0x9a: {  	[tilespmem:s13], [sflag:$0x2] =	stream.indirect.gather [hbm4b:s16+s10], $0x40, s25, s10, $0xb8;
	[tilespmem:$0x1B600] =	vst v63  }
0x9b: {  	_ =	swait.ge [sflag:s15], $0x2000  }
0x9c: {  	s21 =	sadd.s32 $0xFFFFFFFF, s19;
	[sflag:s15] =	ssyncset.done $0x0  }
0x9d: {  	s23 =	sadd.s32 $0x4F00, s20;
	p1 =	sgt.u32 s18, s21;
	[sflag:s15] =	ssyncadd.s32 $0xFFFFE000  }
0x9e: {  	[spmem:s12] =	stream.indirect.scatter.add.f32 [tilespmem:s6], [sflag:$0x4], $0x40, s23, s10, $0xb8;
	[tilespmem:$0x1B600] =	vst v63  }
0x9f: {  	p2 =	sge.u32 @!p1 s21, s5;
	_ =	swait.ge [sflag:s7], $0x2000  }
0xa0: {  	p1 =	por p2, p1;
	[sflag:s7] =	ssyncset.done $0x0  }
0xa1: {  	s21 =	simm.s32 @!p1 $0x80;
	s25 =	simm.s32 @!p1 $0x17E00;
	[sflag:s7] =	ssyncadd.s32 $0xFFFFE000  }
0xa2: {  	[spmem:s14] =	stream.indirect.scatter.add.f32 @!p1 [tilespmem:s25], [sflag:$0x3], $0x10, s23, s21, $0xb8;
	[tilespmem:$0x1B600] =	vst v63  }
0xa3: {  	s28 =	sadd.s32 $0x100, s20  }
0xa4: {  	[tilespmem:s6], [sflag:$0x1] =	stream.indirect.gather [hbm4b:s16+s10], $0x40, s28, s10, $0xb8;
	[tilespmem:$0x1B600] =	vst v63  }
0xa5: {  	_ =	swait.ge [sflag:s9], $0x2000  }
0xa6: {  	[sflag:s9] =	ssyncset.done $0x0  }
0xa7: {  	s20 =	sadd.s32 $0x4F80, s20;
	p1 =	sgt.u32 s18, s19;
	[sflag:s9] =	ssyncadd.s32 $0xFFFFE000  }
0xa8: {  	[spmem:s12] =	stream.indirect.scatter.add.f32 [tilespmem:s13], [sflag:$0x4], $0x40, s20, s10, $0xb8;
	[tilespmem:$0x1B600] =	vst v63  }
0xa9: {  	p2 =	sge.u32 @!p1 s19, s5;
	_ =	swait.ge [sflag:s7], $0x2000  }
0xaa: {  	p1 =	por p2, p1;
	[sflag:s7] =	ssyncset.done $0x0  }
0xab: {  	s19 =	simm.s32 @!p1 $0x80;
	s21 =	simm.s32 @!p1 $0x17E00;
	[sflag:s7] =	ssyncadd.s32 $0xFFFFE000  }
0xac: {  	[spmem:s14] =	stream.indirect.scatter.add.f32 @!p1 [tilespmem:s21], [sflag:$0x3], $0x10, s20, s19, $0xb8;
	[tilespmem:$0x1B600] =	vst v63  }
0xad: {  	s30 =	simm.s32 $0x4E80  }
0xae: {  	[tilespmem:s13], [sflag:$0x2] =	stream.indirect.gather [hbm4b:s16+s10], $0x40, s30, s10, $0xb8;
	[tilespmem:$0x1B600] =	vst v63  }
0xaf: {  	_ =	swait.ge [sflag:s15], $0x2000  }
0xb0: {  	[sflag:s15] =	ssyncset.done $0x0  }
0xb1: {  	s31 =	simm.s32 $0x9D00;
	[sflag:s15] =	ssyncadd.s32 $0xFFFFE000  }
0xb2: {  	[spmem:s12] =	stream.indirect.scatter.add.f32 [tilespmem:s6], [sflag:$0x4], $0x40, s31, s10, $0xb8;
	[tilespmem:$0x1B600] =	vst v63  }
0xb3: {  	_ =	swait.ge [sflag:s7], $0x2000  }
0xb4: {  	[sflag:s7] =	ssyncset.done $0x0  }
0xb5: {  	s19 =	simm.s32 @p0 $0x2;
	[sflag:s7] =	ssyncadd.s32 $0xFFFFE000  }
0xb6: {  	_ =	swait.ge @p0 [sflag:s19], $0x2000  }
0xb7: {  	s20 =	simm.s32 @p0 $0x9D80;
	[sflag:s19] =	ssyncset.done @p0 $0x0  }
0xb8: {  	s21 =	simm.s32 @p0 $0xBE00;
	[sflag:s19] =	ssyncadd.s32 @p0 $0xFFFFE000;
	s19 =	simm.s32 @p0 $0x80  }
0xb9: {  	[spmem:s12] =	stream.indirect.scatter.add.f32 @p0 [tilespmem:s21], [sflag:$0x4], $0x40, s20, s19, $0xb8;
	[tilespmem:$0x1B600] =	vst v63  }
0xba: {  	s19 =	simm.s32 @p0 $0x4  }
0xbb: {  	_ =	swait.ge @p0 [sflag:s19], $0x2000  }
0xbc: {  	s20 =	simm.s32 @!p0 $0x9D00;
	[sflag:s19] =	ssyncset.done @p0 $0x0  }
0xbd: {  	s21 =	simm.s32 @!p0 $0x17E00;
	[sflag:s19] =	ssyncadd.s32 @p0 $0xFFFFE000;
	s19 =	simm.s32 @!p0 $0x80  }
0xbe: {  	[spmem:s14] =	stream.indirect.scatter.add.f32 @!p0 [tilespmem:s21], [sflag:$0x3], $0x10, s20, s19, $0xb8;
	[tilespmem:$0x1B600] =	vst v63  }
0xbf: {  	s20 =	simm.s32 @!p0 $0x2  }
0xc0: {  	_ =	swait.ge @!p0 [sflag:s20], $0x2000  }
0xc1: {  	[sflag:s20] =	ssyncset.done @!p0 $0x0  }
0xc2: {  	s23 =	simm.s32 @!p0 $0xBE00;
	[sflag:s20] =	ssyncadd.s32 @!p0 $0xFFFFE000;
	s20 =	simm.s32 @!p0 $0x9D80  }
0xc3: {  	[spmem:s12] =	stream.indirect.scatter.add.f32 @!p0 [tilespmem:s23], [sflag:$0x4], $0x40, s20, s19, $0xb8;
	[tilespmem:$0x1B600] =	vst v63  }
0xc4: {  	s23 =	simm.s32 @!p0 $0x4  }
0xc5: {  	_ =	swait.ge @!p0 [sflag:s23], $0x2000  }
0xc6: {  	[sflag:s23] =	ssyncset.done @!p0 $0x0  }
0xc7: {  	[sflag:s23] =	ssyncadd.s32 @!p0 $0xFFFFE000  }
0xc8: {  	[spmem:s14] =	stream.indirect.scatter.add.f32 @!p0 [tilespmem:s21], [sflag:$0x3], $0x10, s20, s19, $0xb8;
	[tilespmem:$0x1B600] =	vst v63  }
0xc9: {  	_ =	swait.ge [sflag:s17], $0x800  }
0xca: {  	s19 =	simm.s32 $0x4E;
	[sflag:s17] =	ssyncset.done $0x0  }
.LBB2_6:
0xcb: {  	p1 =	sne.s32 s19, $0x1;
	s19 =	sadd.s32 $0xFFFFFFFF, s19;
	[sflag:s17] =	ssyncadd.s32 $0xFFFFF800  }
.Ltmp2:
0xcc: {  	(pc) =	sbr.rel @p1 .LBB2_6-.Ltmp2, $3  }
0xcd: {  	_ =	sdelay $0x1  }
0xce: {  	_ =	swait.ge [sflag:s17], $0x800  }
0xcf: {  	[sflag:s17] =	ssyncset.done $0x0  }
0xd0: {  	[sflag:s17] =	ssyncadd.s32 $0xFFFFF800  }
0xd1: {  	s19 =	stileid.u32;
	[bflag:$0x0] =	sbarrier.arrive $0xFFFF  }
0xd2: {  	s19 =	sshll.u32 s19, $0x6;
	s20 =	rddreg [dreg:$0x6]  }
0xd3: {  	s19 =	sor.u32 $0x1C04, s19;
	s21 =	rddreg [dreg:$0x18]  }
0xd4: {  	[hbm:s20], [sflag:s19] =	dma.local [spmem:s21], $0x400  }
0xd5: {  	_ =	swait.ge [sflag:s7], $0x400  }
0xd6: {  	[sflag:s7] =	ssyncset.done $0x0  }
0xd7: {  	s28 =	rddreg [dreg:$0xb];
	[sflag:s7] =	ssyncadd.s32 $0xFFFFFC00  }
0xd8: {  	[hbm:s28], [sflag:s19] =	dma.local [spmem:s11], $0x100  }
0xd9: {  	_ =	swait.ge [sflag:s7], $0x100  }
0xda: {  	[sflag:s7] =	ssyncset.done $0x0  }
0xdb: {  	s30 =	sshrl.u32 s22, $0x3;
	s31 =	rddreg [dreg:$0x7];
	[sflag:s7] =	ssyncadd.s32 $0xFFFFFF00  }
0xdc: {  	[hbm:s31], [sflag:s19] =	dma.local [spmem:s30], $0x400  }
0xdd: {  	_ =	swait.ge [sflag:s7], $0x400  }
0xde: {  	[sflag:s7] =	ssyncset.done $0x0  }
0xdf: {  	s21 =	rddreg [dreg:$0xc];
	[sflag:s7] =	ssyncadd.s32 $0xFFFFFC00  }
0xe0: {  	[hbm:s21], [sflag:s19] =	dma.local [spmem:s0], $0x100  }
0xe1: {  	_ =	swait.ge [sflag:s7], $0x100  }
0xe2: {  	[sflag:s7] =	ssyncset.done $0x0  }
0xe3: {  	s23 =	sshrl.u32 s24, $0x3;
	s25 =	rddreg [dreg:$0x8];
	[sflag:s7] =	ssyncadd.s32 $0xFFFFFF00  }
0xe4: {  	[hbm:s25], [sflag:s19] =	dma.local [spmem:s23], $0x400  }
0xe5: {  	_ =	swait.ge [sflag:s7], $0x400  }
0xe6: {  	[sflag:s7] =	ssyncset.done $0x0  }
0xe7: {  	s28 =	rddreg [dreg:$0xd];
	[sflag:s7] =	ssyncadd.s32 $0xFFFFFC00  }
0xe8: {  	[hbm:s28], [sflag:s19] =	dma.local [spmem:s2], $0x100  }
0xe9: {  	_ =	swait.ge [sflag:s7], $0x100  }
0xea: {  	[sflag:s7] =	ssyncset.done $0x0  }
0xeb: {  	s30 =	sshrl.u32 s26, $0x3;
	s31 =	rddreg [dreg:$0x9];
	[sflag:s7] =	ssyncadd.s32 $0xFFFFFF00  }
0xec: {  	[hbm:s31], [sflag:s19] =	dma.local [spmem:s30], $0x400  }
0xed: {  	_ =	swait.ge [sflag:s7], $0x400  }
0xee: {  	[sflag:s7] =	ssyncset.done $0x0  }
0xef: {  	s23 =	rddreg [dreg:$0xe];
	[sflag:s7] =	ssyncadd.s32 $0xFFFFFC00  }
0xf0: {  	[hbm:s23], [sflag:s19] =	dma.local [spmem:s3], $0x100  }
0xf1: {  	_ =	swait.ge [sflag:s7], $0x100  }
0xf2: {  	[sflag:s7] =	ssyncset.done $0x0  }
0xf3: {  	s25 =	sshrl.u32 s29, $0x3;
	s28 =	rddreg [dreg:$0xa];
	[sflag:s7] =	ssyncadd.s32 $0xFFFFFF00  }
0xf4: {  	[hbm:s28], [sflag:s19] =	dma.local [spmem:s25], $0x400  }
0xf5: {  	_ =	swait.ge [sflag:s7], $0x400  }
0xf6: {  	[sflag:s7] =	ssyncset.done $0x0  }
0xf7: {  	s30 =	rddreg [dreg:$0xf];
	[sflag:s7] =	ssyncadd.s32 $0xFFFFFC00  }
0xf8: {  	[hbm:s30], [sflag:s19] =	dma.local [spmem:s4], $0x100  }
0xf9: {  	_ =	swait.ge [sflag:s7], $0x100  }
0xfa: {  	s1 =	sadd.s32 $0x1, s1;
	s31 =	rddreg [dreg:$0x11]  }
0xfb: {  	p1 =	sne.s32 s1, s31  }
.Ltmp3:
0xfc: {  	_ = 	snop;
	(pc) =	sbr.rel @p1 .LBB2_1-.Ltmp3, $3  }
0xfd: {  	_ =	sdelay $0x1  }
0xfe: {  	[sflag:s7] =	ssyncset.done $0x0  }
0xff: {  	[sflag:s7] =	ssyncadd.s32 $0xFFFFFF00  }
0x100: {  	_ =	sfence.sel $0x180000  }
0x101: {  	[bflag:$0x0] =	sbarrier.arrive $0xFFFF  }
0x102: {  	_ =	strace $0x90000047  }
0x103: {  	s0 =	stileid.u32;
	[bflag:$0x2] =	sbarrier.arrive $0xFFFF  }
0x104: {  	p0 =	sne.s32 s0, $0x0;
	s0 =	rddreg [dreg:$0x4]  }
0x105: {  	s0 =	sadd.s32 @!p0 $0x100000, s0  }
0x106: {  	[sflag:s0] =	ssyncadd.tile.s32 @!p0 $0x1;
	_ =	shalt  }
.Lfunc_end2:
_tile_overlayer_lowered:
.L_overlay_start_2:
0x107: {  	(tag) =	ssettag $0x2  }
0x108: {  	s0 =	rddreg [dreg:$0x0];
	s2 =	stileid.u32  }
0x109: {  	s1 =	rddreg [dreg:$0x1];
	p0 =	sne.s32 s2, $0x0  }
0x10a: {  	s3 =	rddreg [dreg:$0x2];
	[bflag:$0x3] =	sbarrier.arrive $0xFFFF;
	s2 =	simm.s32 @!p0 $0x1C04  }
0x10b: {  	[timem:s3], [sflag:s2] =	dma.local @!p0 [hbm:s0], s1  }
0x10c: {  	s0 =	simm.s32 @!p0 $0x4  }
0x10d: {  	_ =	swait.ge @!p0 [sflag:s0], s1  }
0x10e: {  	s1 =	ssub.s32 @!p0 $0x0, s1;
	[sflag:s0] =	ssyncset.done @!p0 $0x0  }
0x10f: {  	[sflag:s0] =	ssyncadd.s32 @!p0 s1  }
0x110: {  	[bflag:$0x3] =	sbarrier.arrive $0xFFFF  }
0x111: {  	_ =	shalt  }

</sc_bundles>
